<compile_context>
chip_gen: v7x
topology: tpu7x:2x2x1
jax: 0.10.2.dev20260603
libtpu: 0.0.44.dev20260713+nightly
codegen_flags: <defaults>
</compile_context>

<pallas_src>
import functools

import jax
import jax.numpy as jnp
from jax import lax
from jax.experimental import pallas as pl
from jax.experimental.pallas import tpu as pltpu
from jax.experimental.pallas import tpu_sc as plsc

_NUM_CORES = 2
_NUM_SUBCORES = 16
_NUM_WORKERS = _NUM_CORES * _NUM_SUBCORES
_LANES = 16
_CH = 2048


def _chunk_plan(e):
    assert e % _CH == 0, f"edge count {e} not divisible by {_CH}"
    nch_tot = e // _CH
    nfull = nch_tot // _NUM_WORKERS
    rem = nch_tot - nfull * _NUM_WORKERS
    assert nfull >= 2
    maxc = nfull + (1 if rem else 0)
    return nch_tot, nfull, rem, maxc


def _worker_id():
    return lax.axis_index("s") * _NUM_CORES + lax.axis_index("c")


def _scatter_partials(edge_index, values, np_pad):
    e = values.shape[0]
    packed = edge_index.ndim == 2
    nch_tot, nfull, rem, maxc = _chunk_plan(e)
    gp = _CH // _LANES
    ibuf_t = (pltpu.VMEM((2, _CH), jnp.int32) if packed
              else pltpu.VMEM((_CH,), jnp.int32))

    mesh = plsc.VectorSubcoreMesh(core_axis_name="c", subcore_axis_name="s")

    @functools.partial(
        pl.kernel,
        out_type=jax.ShapeDtypeStruct((_NUM_WORKERS, 1, np_pad), jnp.float32),
        mesh=mesh,
        compiler_params=pltpu.CompilerParams(needs_layout_passes=False),
        scratch_types=[
            pltpu.VMEM((np_pad,), jnp.float32),
            ibuf_t,
            ibuf_t,
            pltpu.VMEM((_CH,), jnp.float32),
            pltpu.VMEM((_CH,), jnp.float32),
            pltpu.SemaphoreType.DMA,
            pltpu.SemaphoreType.DMA,
            pltpu.SemaphoreType.DMA,
            pltpu.SemaphoreType.DMA,
        ],
    )
    def scatter_k(ei_hbm, val_hbm, out_hbm, acc, ib0, ib1, vb0, vb1,
                  si0, si1, sv0, sv1):
        wid = _worker_id()
        base_chunk = wid * nfull + jnp.minimum(wid, rem)
        count = nfull + jnp.where(wid < rem, 1, 0)

        zeros = jnp.zeros((_LANES,), jnp.float32)

        def zero_body(i, carry):
            acc[pl.ds(i * _LANES, _LANES)] = zeros
            return carry

        lax.fori_loop(0, np_pad // _LANES, zero_body, 0, unroll=8)

        def start(ci, ib, vb, si, sv):
            off = (base_chunk + ci) * _CH
            src = (ei_hbm.at[:, pl.ds(off, _CH)] if packed
                   else ei_hbm.at[pl.ds(off, _CH)])
            pltpu.async_copy(src, ib, si)
            pltpu.async_copy(val_hbm.at[pl.ds(off, _CH)], vb, sv)

        def wait(ib, vb, si, sv):
            src = (ei_hbm.at[:, pl.ds(0, _CH)] if packed
                   else ei_hbm.at[pl.ds(0, _CH)])
            pltpu.make_async_copy(src, ib, si).wait()
            pltpu.make_async_copy(val_hbm.at[pl.ds(0, _CH)], vb, sv).wait()

        def process(ib, vb):
            def body(j, carry):
                if packed:
                    idx = ib[1, pl.ds(j * _LANES, _LANES)]
                else:
                    idx = ib[pl.ds(j * _LANES, _LANES)]
                v = vb[pl.ds(j * _LANES, _LANES)]
                plsc.addupdate_scatter(acc, [idx], v)
                return carry

            lax.fori_loop(0, gp, body, 0, unroll=8)

        start(0, ib0, vb0, si0, sv0)
        start(1, ib1, vb1, si1, sv1)

        def pair(p, carry):
            ci0 = p * 2
            ci1 = ci0 + 1

            @pl.when(ci0 < count)
            def _():
                wait(ib0, vb0, si0, sv0)
                process(ib0, vb0)

            @pl.when(ci0 + 2 < count)
            def _():
                start(ci0 + 2, ib0, vb0, si0, sv0)

            @pl.when(ci1 < count)
            def _():
                wait(ib1, vb1, si1, sv1)
                process(ib1, vb1)

            @pl.when(ci1 + 2 < count)
            def _():
                start(ci1 + 2, ib1, vb1, si1, sv1)

            return carry

        lax.fori_loop(0, (maxc + 1) // 2, pair, 0)
        pltpu.sync_copy(acc, out_hbm.at[wid, 0, pl.ds(0, np_pad)])

    return scatter_k(edge_index, values)


def _gather_mul(edge_index, values, s_flat):
    e = values.shape[0]
    n_pad = s_flat.shape[0]
    nch_tot, nfull, rem, maxc = _chunk_plan(e)
    gp = _CH // _LANES

    mesh = plsc.VectorSubcoreMesh(core_axis_name="c", subcore_axis_name="s")

    @functools.partial(
        pl.kernel,
        out_type=jax.ShapeDtypeStruct((e,), jnp.float32),
        mesh=mesh,
        compiler_params=pltpu.CompilerParams(needs_layout_passes=False),
        scratch_types=[
            pltpu.VMEM((n_pad,), jnp.float32),
            pltpu.VMEM((_CH,), jnp.int32),
            pltpu.VMEM((_CH,), jnp.int32),
            pltpu.VMEM((_CH,), jnp.float32),
            pltpu.VMEM((_CH,), jnp.float32),
            pltpu.VMEM((_CH,), jnp.float32),
            pltpu.VMEM((_CH,), jnp.float32),
            pltpu.SemaphoreType.DMA,
            pltpu.SemaphoreType.DMA,
            pltpu.SemaphoreType.DMA,
            pltpu.SemaphoreType.DMA,
            pltpu.SemaphoreType.DMA,
            pltpu.SemaphoreType.DMA,
            pltpu.SemaphoreType.DMA,
        ],
    )
    def gather_k(ei_hbm, val_hbm, s_hbm, m_hbm, sv, ib0, ib1, wb0, wb1,
                 mb0, mb1, stab, si0, si1, sw0, sw1, so0, so1):
        wid = _worker_id()
        base_chunk = wid * nfull + jnp.minimum(wid, rem)
        count = nfull + jnp.where(wid < rem, 1, 0)

        rep = pltpu.async_copy(s_hbm, sv, stab)

        def start_in(ci, ib, wb, si, sw):
            off = (base_chunk + ci) * _CH
            pltpu.async_copy(ei_hbm.at[0, pl.ds(off, _CH)], ib, si)
            pltpu.async_copy(val_hbm.at[pl.ds(off, _CH)], wb, sw)

        def wait_in(ib, wb, si, sw):
            pltpu.make_async_copy(ei_hbm.at[0, pl.ds(0, _CH)], ib, si).wait()
            pltpu.make_async_copy(val_hbm.at[pl.ds(0, _CH)], wb, sw).wait()

        def wait_out(mb, so):
            pltpu.make_async_copy(mb, m_hbm.at[pl.ds(0, _CH)], so).wait()

        def process(ib, wb, mb):
            def body(j, carry):
                idx = ib[pl.ds(j * _LANES, _LANES)]
                w = wb[pl.ds(j * _LANES, _LANES)]
                vals = plsc.load_gather(sv, [idx])
                mb[pl.ds(j * _LANES, _LANES)] = vals * w
                return carry

            lax.fori_loop(0, gp, body, 0, unroll=8)

        def start_out(ci, mb, so):
            off = (base_chunk + ci) * _CH
            pltpu.async_copy(mb, m_hbm.at[pl.ds(off, _CH)], so)

        start_in(0, ib0, wb0, si0, sw0)
        start_in(1, ib1, wb1, si1, sw1)
        rep.wait()

        def pair(p, carry):
            ci0 = p * 2
            ci1 = ci0 + 1

            @pl.when(ci0 < count)
            def _():
                wait_in(ib0, wb0, si0, sw0)

                @pl.when(p > 0)
                def _():
                    wait_out(mb0, so0)

                process(ib0, wb0, mb0)
                start_out(ci0, mb0, so0)

            @pl.when(ci0 + 2 < count)
            def _():
                start_in(ci0 + 2, ib0, wb0, si0, sw0)

            @pl.when(ci1 < count)
            def _():
                wait_in(ib1, wb1, si1, sw1)

                @pl.when(p > 0)
                def _():
                    wait_out(mb1, so1)

                process(ib1, wb1, mb1)
                start_out(ci1, mb1, so1)

            @pl.when(ci1 + 2 < count)
            def _():
                start_in(ci1 + 2, ib1, wb1, si1, sw1)

            return carry

        lax.fori_loop(0, (maxc + 1) // 2, pair, 0)
        wait_out(mb0, so0)

        @pl.when(count > 1)
        def _():
            wait_out(mb1, so1)

    return gather_k(edge_index, values, s_flat)


def _dis_s(degp, x_row, np_pad, bn=8192):

    def body(degp_ref, x_ref, dis_ref, s_ref):
        d = jnp.sum(degp_ref[...], axis=0)
        dis = jnp.where(d > 0.0, lax.rsqrt(jnp.maximum(d, 1e-12)), 0.0)
        dis_ref[...] = dis
        s_ref[...] = dis * x_ref[...]

    grid = pl.cdiv(np_pad, bn)
    return pl.pallas_call(
        body,
        grid=(grid,),
        in_specs=[
            pl.BlockSpec((_NUM_WORKERS, 1, bn), lambda i: (0, 0, i)),
            pl.BlockSpec((1, bn), lambda i: (0, i)),
        ],
        out_specs=[
            pl.BlockSpec((1, bn), lambda i: (0, i)),
            pl.BlockSpec((1, bn), lambda i: (0, i)),
        ],
        out_shape=[
            jax.ShapeDtypeStruct((1, np_pad), jnp.float32),
            jax.ShapeDtypeStruct((1, np_pad), jnp.float32),
        ],
    )(degp, x_row)


def _tx1_dense(accp, dis_row, x_row, w0c, w1c, bc, n_nodes, out_c, bn=4096):

    def body(accp_ref, dis_ref, x_ref, w0c_ref, w1c_ref, bc_ref, o_ref):
        a = jnp.sum(accp_ref[...], axis=0)
        t = -dis_ref[...] * a
        ot = (x_ref[...] * w0c_ref[...] + t * w1c_ref[...]
              + bc_ref[...])
        ot = jnp.where(ot >= 0.0, ot, 0.01 * ot)
        o_ref[...] = ot

    grid = pl.cdiv(n_nodes, bn)
    return pl.pallas_call(
        body,
        grid=(grid,),
        in_specs=[
            pl.BlockSpec((_NUM_WORKERS, 1, bn), lambda i: (0, 0, i)),
            pl.BlockSpec((1, bn), lambda i: (0, i)),
            pl.BlockSpec((1, bn), lambda i: (0, i)),
            pl.BlockSpec((out_c, 1), lambda i: (0, 0)),
            pl.BlockSpec((out_c, 1), lambda i: (0, 0)),
            pl.BlockSpec((out_c, 1), lambda i: (0, 0)),
        ],
        out_specs=pl.BlockSpec((out_c, bn), lambda i: (0, i)),
        out_shape=jax.ShapeDtypeStruct((out_c, n_nodes), jnp.float32),
    )(accp, dis_row, x_row, w0c, w1c, bc)


def kernel(x, edge_index, edge_weight, W0, W1, b):
    n = x.shape[0]
    out_c = W0.shape[1]
    np_pad = ((n + 127) // 128) * 128
    ei = edge_index.astype(jnp.int32)
    ew = edge_weight.astype(jnp.float32)

    degp = _scatter_partials(ei, ew, np_pad)
    x_row = x.reshape(1, n)
    dis_row, s_row = _dis_s(degp, x_row, np_pad)
    m = _gather_mul(ei, ew, s_row.reshape(np_pad))
    accp = _scatter_partials(ei, m, np_pad)
    w0c = W0.astype(jnp.float32).reshape(out_c, 1)
    w1c = W1.astype(jnp.float32).reshape(out_c, 1)
    bc = b.astype(jnp.float32).reshape(out_c, 1)
    out_t = _tx1_dense(accp, dis_row, x_row, w0c, w1c, bc, n, out_c)
    return out_t.T

# --- scband reference (transcript-rebuilt; emitter-appended) ---
"""Pipeline reference for scband-monster-20005957665491 (READ-ONLY COPY).

The authoritative reference and input builder live on the scoring server;
editing this copy changes nothing except your own understanding.
"""

import jax, jax.numpy as jnp
import numpy as np

N = 100000
E = 6400000
IN_C = 1
OUT_C = 64


def setup_inputs(seed: int = 0) -> dict:
    key = jax.random.key(seed)
    k1, k2, k3, k4, k5, k6 = jax.random.split(key, 6)
    x = jax.random.normal(k1, (N, IN_C), dtype=jnp.float32)
    edge_index = jax.random.randint(k2, (2, E), 0, N, dtype=jnp.int64)
    edge_weight = jax.random.uniform(k3, (E,), dtype=jnp.float32)
    # Chebyshev conv weights, K=2: one weight matrix per Chebyshev order
    W0 = jax.random.normal(k4, (IN_C, OUT_C), dtype=jnp.float32) * 0.1
    W1 = jax.random.normal(k5, (IN_C, OUT_C), dtype=jnp.float32) * 0.1
    b = jax.random.normal(k6, (OUT_C,), dtype=jnp.float32) * 0.01
    return {"x": x, "edge_index": edge_index, "edge_weight": edge_weight,
            "W0": W0, "W1": W1, "b": b}


def reference(x, edge_index, edge_weight, W0, W1, b):
    # ChebConv with K=2 (spatial graph conv core of ASTGCN block).
    # Scaled Laplacian with lambda_max=2: L_hat = -D^{-1/2} A D^{-1/2}
    src = edge_index[0]
    dst = edge_index[1]
    deg = jax.ops.segment_sum(edge_weight, dst, num_segments=N)
    deg_inv_sqrt = jnp.where(deg > 0, jax.lax.rsqrt(jnp.maximum(deg, 1e-12)), 0.0)
    norm = -deg_inv_sqrt[src] * edge_weight * deg_inv_sqrt[dst]
    # Chebyshev recursion: Tx_0 = x, Tx_1 = L_hat @ x
    Tx0 = x
    msgs = norm[:, None] * jnp.take(x, src, axis=0)
    Tx1 = jnp.zeros((N, x.shape[1]), dtype=x.dtype).at[dst].add(msgs)
    out = Tx0 @ W0 + Tx1 @ W1 + b
    # LeakyReLU attention/activation from the module (negative_slope=0.01)
    out = jnp.where(out >= 0, out, 0.01 * out)
    return out

if __name__ == "__main__":
    import jax
    _d = setup_inputs()
    print(jax.jit(kernel)(*tuple(_d.values())))

</pallas_src>

<mosaic_0001>
#map = affine_map<(d0, d1) -> (0, 0)>
#map1 = affine_map<(d0, d1) -> (0)>
#map2 = affine_map<(d0, d1) -> (0, 0, 0)>
module attributes {stable_mosaic.version = 14 : i64} {
  func.func @scatter_k(%arg0: i32, %arg1: i32, %arg2: memref<2x6400000xi32, #tpu.memory_space<hbm>>, %arg3: memref<6400000xf32, #tpu.memory_space<hbm>>, %arg4: memref<32x1x100096xf32, #tpu.memory_space<hbm>>, %arg5: memref<100096xf32, #tpu.memory_space<vmem>>, %arg6: memref<2x2048xi32, #tpu.memory_space<vmem>>, %arg7: memref<2x2048xi32, #tpu.memory_space<vmem>>, %arg8: memref<2048xf32, #tpu.memory_space<vmem>>, %arg9: memref<2048xf32, #tpu.memory_space<vmem>>, %arg10: memref<!tpu.dma_semaphore, #tpu.memory_space<semaphore_mem>>, %arg11: memref<!tpu.dma_semaphore, #tpu.memory_space<semaphore_mem>>, %arg12: memref<!tpu.dma_semaphore, #tpu.memory_space<semaphore_mem>>, %arg13: memref<!tpu.dma_semaphore, #tpu.memory_space<semaphore_mem>>) attributes {dimension_semantics = [#tpu.dimension_semantics<core_parallel>, #tpu.dimension_semantics<subcore_parallel>], iteration_bounds = array<i64: 2, 16>, scalar_prefetch = 0 : i64, scratch_operands = 9 : i64, tpu.core_type = #tpu.core_type<sc_vector_subcore>, window_params = [{transform_indices = #map}, {transform_indices = #map1}, {transform_indices = #map2}]} {
    %mul3A = arith.constant 2 : i32
    %mul3A_0 = arith.muli %arg1, %mul3A : i32
    %add3A = arith.addi %mul3A_0, %arg0 : i32
    %mul3A_1 = arith.constant 97 : i32
    %mul3A_2 = arith.muli %add3A, %mul3A_1 : i32
    %min3A = arith.constant 21 : i32
    %min3A_3 = arith.minsi %add3A, %min3A : i32
    %add3A_4 = arith.addi %mul3A_2, %min3A_3 : i32
    %lt3A = arith.constant 21 : i32
    %lt3A_5 = arith.cmpi slt, %add3A, %lt3A : i32
    %jit3A = arith.constant 1 : i32
    %jit3A_6 = arith.constant 0 : i32
    %select_n3A = arith.select %lt3A_5, %jit3A, %jit3A_6 : i32
    %add3A_7 = arith.constant 97 : i32
    %add3A_8 = arith.addi %add3A_7, %select_n3A : i32
    %broadcast_in_dim3A = arith.constant 0.000000e+00 : f32
    %broadcast_in_dim3A_9 = vector.broadcast %broadcast_in_dim3A : f32 to vector<16xf32>
    %scan3A = arith.constant 0 : i32
    %scan3A_10 = arith.constant 0 : i32
    %scan3A_11 = arith.constant 6256 : i32
    %scan3A_12 = arith.addi %scan3A_10, %scan3A_11 : i32
    %scan3A_13 = arith.constant 8 : i32
    scf.for %scan3A_40 = %scan3A_10 to %scan3A_12 step %scan3A_13  : i32 {
      %mul3A_41 = arith.constant 16 : i32
      %mul3A_42 = arith.muli %scan3A_40, %mul3A_41 : i32
      %swap3A = arith.index_cast %mul3A_42 : i32 to index
      %swap3A_43 = tpu.vector_load %arg5[%swap3A] {strides = array<i32>} : memref<100096xf32, #tpu.memory_space<vmem>>, vector<16xf32>,
      tpu.vector_store %arg5[%swap3A], %broadcast_in_dim3A_9 {strides = array<i32>} : memref<100096xf32, #tpu.memory_space<vmem>>, vector<16xf32>,
      %scan3A_44 = arith.constant 1 : i32
      %scan3A_45 = arith.addi %scan3A_40, %scan3A_44 : i32
      %mul3A_46 = arith.constant 16 : i32
      %mul3A_47 = arith.muli %scan3A_45, %mul3A_46 : i32
      %swap3A_48 = arith.index_cast %mul3A_47 : i32 to index
      %swap3A_49 = tpu.vector_load %arg5[%swap3A_48] {strides = array<i32>} : memref<100096xf32, #tpu.memory_space<vmem>>, vector<16xf32>,
      tpu.vector_store %arg5[%swap3A_48], %broadcast_in_dim3A_9 {strides = array<i32>} : memref<100096xf32, #tpu.memory_space<vmem>>, vector<16xf32>,
      %scan3A_50 = arith.constant 2 : i32
      %scan3A_51 = arith.addi %scan3A_40, %scan3A_50 : i32
      %mul3A_52 = arith.constant 16 : i32
      %mul3A_53 = arith.muli %scan3A_51, %mul3A_52 : i32
      %swap3A_54 = arith.index_cast %mul3A_53 : i32 to index
      %swap3A_55 = tpu.vector_load %arg5[%swap3A_54] {strides = array<i32>} : memref<100096xf32, #tpu.memory_space<vmem>>, vector<16xf32>,
      tpu.vector_store %arg5[%swap3A_54], %broadcast_in_dim3A_9 {strides = array<i32>} : memref<100096xf32, #tpu.memory_space<vmem>>, vector<16xf32>,
      %scan3A_56 = arith.constant 3 : i32
      %scan3A_57 = arith.addi %scan3A_40, %scan3A_56 : i32
      %mul3A_58 = arith.constant 16 : i32
      %mul3A_59 = arith.muli %scan3A_57, %mul3A_58 : i32
      %swap3A_60 = arith.index_cast %mul3A_59 : i32 to index
      %swap3A_61 = tpu.vector_load %arg5[%swap3A_60] {strides = array<i32>} : memref<100096xf32, #tpu.memory_space<vmem>>, vector<16xf32>,
      tpu.vector_store %arg5[%swap3A_60], %broadcast_in_dim3A_9 {strides = array<i32>} : memref<100096xf32, #tpu.memory_space<vmem>>, vector<16xf32>,
      %scan3A_62 = arith.constant 4 : i32
      %scan3A_63 = arith.addi %scan3A_40, %scan3A_62 : i32
      %mul3A_64 = arith.constant 16 : i32
      %mul3A_65 = arith.muli %scan3A_63, %mul3A_64 : i32
      %swap3A_66 = arith.index_cast %mul3A_65 : i32 to index
      %swap3A_67 = tpu.vector_load %arg5[%swap3A_66] {strides = array<i32>} : memref<100096xf32, #tpu.memory_space<vmem>>, vector<16xf32>,
      tpu.vector_store %arg5[%swap3A_66], %broadcast_in_dim3A_9 {strides = array<i32>} : memref<100096xf32, #tpu.memory_space<vmem>>, vector<16xf32>,
      %scan3A_68 = arith.constant 5 : i32
      %scan3A_69 = arith.addi %scan3A_40, %scan3A_68 : i32
      %mul3A_70 = arith.constant 16 : i32
      %mul3A_71 = arith.muli %scan3A_69, %mul3A_70 : i32
      %swap3A_72 = arith.index_cast %mul3A_71 : i32 to index
      %swap3A_73 = tpu.vector_load %arg5[%swap3A_72] {strides = array<i32>} : memref<100096xf32, #tpu.memory_space<vmem>>, vector<16xf32>,
      tpu.vector_store %arg5[%swap3A_72], %broadcast_in_dim3A_9 {strides = array<i32>} : memref<100096xf32, #tpu.memory_space<vmem>>, vector<16xf32>,
      %scan3A_74 = arith.constant 6 : i32
      %scan3A_75 = arith.addi %scan3A_40, %scan3A_74 : i32
      %mul3A_76 = arith.constant 16 : i32
      %mul3A_77 = arith.muli %scan3A_75, %mul3A_76 : i32
      %swap3A_78 = arith.index_cast %mul3A_77 : i32 to index
      %swap3A_79 = tpu.vector_load %arg5[%swap3A_78] {strides = array<i32>} : memref<100096xf32, #tpu.memory_space<vmem>>, vector<16xf32>,
      tpu.vector_store %arg5[%swap3A_78], %broadcast_in_dim3A_9 {strides = array<i32>} : memref<100096xf32, #tpu.memory_space<vmem>>, vector<16xf32>,
      %scan3A_80 = arith.constant 7 : i32
      %scan3A_81 = arith.addi %scan3A_40, %scan3A_80 : i32
      %mul3A_82 = arith.constant 16 : i32
      %mul3A_83 = arith.muli %scan3A_81, %mul3A_82 : i32
      %swap3A_84 = arith.index_cast %mul3A_83 : i32 to index
      %swap3A_85 = tpu.vector_load %arg5[%swap3A_84] {strides = array<i32>} : memref<100096xf32, #tpu.memory_space<vmem>>, vector<16xf32>,
      tpu.vector_store %arg5[%swap3A_84], %broadcast_in_dim3A_9 {strides = array<i32>} : memref<100096xf32, #tpu.memory_space<vmem>>, vector<16xf32>,
    }
    %scan3A_14 = arith.constant 6256 : i32
    %add3A_15 = arith.constant 0 : i32
    %add3A_16 = arith.addi %add3A_4, %add3A_15 : i32
    %mul3A_17 = arith.constant 2048 : i32
    %mul3A_18 = arith.muli %add3A_16, %mul3A_17 : i32
    %dma_start3A = arith.constant 0 : i32
    %dma_start3A_19 = tpu.memref_slice %arg2[%dma_start3A, %mul3A_18] : memref<2x6400000xi32, #tpu.memory_space<hbm>> -> memref<2x2048xi32, #tpu.memory_space<hbm>>
    %dma_start3A_20 = arith.constant 0 : i32
    %dma_start3A_21 = tpu.memref_slice %arg2[%dma_start3A_20, %mul3A_18] : memref<2x6400000xi32, #tpu.memory_space<hbm>> -> memref<2x2048xi32, #tpu.memory_space<hbm>>
    tpu.enqueue_dma source(%dma_start3A_21 : memref<2x2048xi32, #tpu.memory_space<hbm>>) target(%arg6 : memref<2x2048xi32, #tpu.memory_space<vmem>>) target_semaphore(%arg10 : memref<!tpu.dma_semaphore, #tpu.memory_space<semaphore_mem>>)
    %dma_start3A_22 = tpu.memref_slice %arg3[%mul3A_18] : memref<6400000xf32, #tpu.memory_space<hbm>> -> memref<2048xf32, #tpu.memory_space<hbm>>
    %dma_start3A_23 = tpu.memref_slice %arg3[%mul3A_18] : memref<6400000xf32, #tpu.memory_space<hbm>> -> memref<2048xf32, #tpu.memory_space<hbm>>
    tpu.enqueue_dma source(%dma_start3A_23 : memref<2048xf32, #tpu.memory_space<hbm>>) target(%arg8 : memref<2048xf32, #tpu.memory_space<vmem>>) target_semaphore(%arg12 : memref<!tpu.dma_semaphore, #tpu.memory_space<semaphore_mem>>)
    %add3A_24 = arith.constant 1 : i32
    %add3A_25 = arith.addi %add3A_4, %add3A_24 : i32
    %mul3A_26 = arith.constant 2048 : i32
    %mul3A_27 = arith.muli %add3A_25, %mul3A_26 : i32
    %dma_start3A_28 = arith.constant 0 : i32
    %dma_start3A_29 = tpu.memref_slice %arg2[%dma_start3A_28, %mul3A_27] : memref<2x6400000xi32, #tpu.memory_space<hbm>> -> memref<2x2048xi32, #tpu.memory_space<hbm>>
    %dma_start3A_30 = arith.constant 0 : i32
    %dma_start3A_31 = tpu.memref_slice %arg2[%dma_start3A_30, %mul3A_27] : memref<2x6400000xi32, #tpu.memory_space<hbm>> -> memref<2x2048xi32, #tpu.memory_space<hbm>>
    tpu.enqueue_dma source(%dma_start3A_31 : memref<2x2048xi32, #tpu.memory_space<hbm>>) target(%arg7 : memref<2x2048xi32, #tpu.memory_space<vmem>>) target_semaphore(%arg11 : memref<!tpu.dma_semaphore, #tpu.memory_space<semaphore_mem>>)
    %dma_start3A_32 = tpu.memref_slice %arg3[%mul3A_27] : memref<6400000xf32, #tpu.memory_space<hbm>> -> memref<2048xf32, #tpu.memory_space<hbm>>
    %dma_start3A_33 = tpu.memref_slice %arg3[%mul3A_27] : memref<6400000xf32, #tpu.memory_space<hbm>> -> memref<2048xf32, #tpu.memory_space<hbm>>
    tpu.enqueue_dma source(%dma_start3A_33 : memref<2048xf32, #tpu.memory_space<hbm>>) target(%arg9 : memref<2048xf32, #tpu.memory_space<vmem>>) target_semaphore(%arg13 : memref<!tpu.dma_semaphore, #tpu.memory_space<semaphore_mem>>)
    %scan3A_34 = arith.constant 0 : i32
    %scan3A_35 = arith.constant 0 : i32
    %scan3A_36 = arith.constant 49 : i32
    %scan3A_37 = arith.addi %scan3A_35, %scan3A_36 : i32
    %scan3A_38 = arith.constant 1 : i32
    scf.for %scan3A_40 = %scan3A_35 to %scan3A_37 step %scan3A_38  : i32 {
      %mul3A_41 = arith.constant 2 : i32
      %mul3A_42 = arith.muli %scan3A_40, %mul3A_41 : i32
      %add3A_43 = arith.constant 1 : i32
      %add3A_44 = arith.addi %mul3A_42, %add3A_43 : i32
      %lt3A_45 = arith.cmpi slt, %mul3A_42, %add3A_8 : i32
      %convert_element_type3A = arith.extui %lt3A_45 : i1 to i32
      %cond3A = arith.constant 0 : i32
      %cond3A_46 = arith.cmpi ne, %convert_element_type3A, %cond3A : i32
      scf.if %cond3A_46 {
        %dma_wait3A = arith.constant 0 : i32
        %dma_wait3A_63 = arith.constant 0 : i32
        %dma_wait3A_64 = tpu.memref_slice %arg2[%dma_wait3A, %dma_wait3A_63] : memref<2x6400000xi32, #tpu.memory_space<hbm>> -> memref<2x2048xi32, #tpu.memory_space<hbm>>
        %dma_wait3A_65 = arith.constant 0 : i32
        %dma_wait3A_66 = arith.constant 0 : i32
        %dma_wait3A_67 = tpu.memref_slice %arg2[%dma_wait3A_65, %dma_wait3A_66] : memref<2x6400000xi32, #tpu.memory_space<hbm>> -> memref<2x2048xi32, #tpu.memory_space<hbm>>
        tpu.wait_dma2 semaphore(%arg10 : memref<!tpu.dma_semaphore, #tpu.memory_space<semaphore_mem>>) src(%dma_wait3A_67 : memref<2x2048xi32, #tpu.memory_space<hbm>>) dst(%arg6 : memref<2x2048xi32, #tpu.memory_space<vmem>>)
        %dma_wait3A_68 = arith.constant 0 : i32
        %dma_wait3A_69 = tpu.memref_slice %arg3[%dma_wait3A_68] : memref<6400000xf32, #tpu.memory_space<hbm>> -> memref<2048xf32, #tpu.memory_space<hbm>>
        %dma_wait3A_70 = arith.constant 0 : i32
        %dma_wait3A_71 = tpu.memref_slice %arg3[%dma_wait3A_70] : memref<6400000xf32, #tpu.memory_space<hbm>> -> memref<2048xf32, #tpu.memory_space<hbm>>
        tpu.wait_dma2 semaphore(%arg12 : memref<!tpu.dma_semaphore, #tpu.memory_space<semaphore_mem>>) src(%dma_wait3A_71 : memref<2048xf32, #tpu.memory_space<hbm>>) dst(%arg8 : memref<2048xf32, #tpu.memory_space<vmem>>)
        %scan3A_72 = arith.constant 0 : i32
        %scan3A_73 = arith.constant 0 : i32
        %scan3A_74 = arith.constant 128 : i32
        %scan3A_75 = arith.addi %scan3A_73, %scan3A_74 : i32
        %scan3A_76 = arith.constant 8 : i32
        scf.for %scan3A_78 = %scan3A_73 to %scan3A_75 step %scan3A_76  : i32 {
          %mul3A_79 = arith.constant 16 : i32
          %mul3A_80 = arith.muli %scan3A_78, %mul3A_79 : i32
          %get3A = arith.constant 1 : i32
          %get3A_81 = arith.index_cast %get3A : i32 to index
          %get3A_82 = arith.index_cast %mul3A_80 : i32 to index
          %get3A_83 = tpu.vector_load %arg6[%get3A_81, %get3A_82] {strides = array<i32>} : memref<2x2048xi32, #tpu.memory_space<vmem>>, vector<16xi32>,
          %mul3A_84 = arith.constant 16 : i32
          %mul3A_85 = arith.muli %scan3A_78, %mul3A_84 : i32
          %get3A_86 = arith.index_cast %mul3A_85 : i32 to index
          %get3A_87 = tpu.vector_load %arg8[%get3A_86] {strides = array<i32>} : memref<2048xf32, #tpu.memory_space<vmem>>, vector<16xf32>,
          tpu.vector_store_idx %arg5[%get3A_83], %get3A_87 {add = true} : memref<100096xf32, #tpu.memory_space<vmem>>[vector<16xi32>], vector<16xf32>,
          %scan3A_88 = arith.constant 1 : i32
          %scan3A_89 = arith.addi %scan3A_78, %scan3A_88 : i32
          %mul3A_90 = arith.constant 16 : i32
          %mul3A_91 = arith.muli %scan3A_89, %mul3A_90 : i32
          %get3A_92 = arith.constant 1 : i32
          %get3A_93 = arith.index_cast %get3A_92 : i32 to index
          %get3A_94 = arith.index_cast %mul3A_91 : i32 to index
          %get3A_95 = tpu.vector_load %arg6[%get3A_93, %get3A_94] {strides = array<i32>} : memref<2x2048xi32, #tpu.memory_space<vmem>>, vector<16xi32>,
          %mul3A_96 = arith.constant 16 : i32
          %mul3A_97 = arith.muli %scan3A_89, %mul3A_96 : i32
          %get3A_98 = arith.index_cast %mul3A_97 : i32 to index
          %get3A_99 = tpu.vector_load %arg8[%get3A_98] {strides = array<i32>} : memref<2048xf32, #tpu.memory_space<vmem>>, vector<16xf32>,
          tpu.vector_store_idx %arg5[%get3A_95], %get3A_99 {add = true} : memref<100096xf32, #tpu.memory_space<vmem>>[vector<16xi32>], vector<16xf32>,
          %scan3A_100 = arith.constant 2 : i32
          %scan3A_101 = arith.addi %scan3A_78, %scan3A_100 : i32
          %mul3A_102 = arith.constant 16 : i32
          %mul3A_103 = arith.muli %scan3A_101, %mul3A_102 : i32
          %get3A_104 = arith.constant 1 : i32
          %get3A_105 = arith.index_cast %get3A_104 : i32 to index
          %get3A_106 = arith.index_cast %mul3A_103 : i32 to index
          %get3A_107 = tpu.vector_load %arg6[%get3A_105, %get3A_106] {strides = array<i32>} : memref<2x2048xi32, #tpu.memory_space<vmem>>, vector<16xi32>,
          %mul3A_108 = arith.constant 16 : i32
          %mul3A_109 = arith.muli %scan3A_101, %mul3A_108 : i32
          %get3A_110 = arith.index_cast %mul3A_109 : i32 to index
          %get3A_111 = tpu.vector_load %arg8[%get3A_110] {strides = array<i32>} : memref<2048xf32, #tpu.memory_space<vmem>>, vector<16xf32>,
          tpu.vector_store_idx %arg5[%get3A_107], %get3A_111 {add = true} : memref<100096xf32, #tpu.memory_space<vmem>>[vector<16xi32>], vector<16xf32>,
          %scan3A_112 = arith.constant 3 : i32
          %scan3A_113 = arith.addi %scan3A_78, %scan3A_112 : i32
          %mul3A_114 = arith.constant 16 : i32
          %mul3A_115 = arith.muli %scan3A_113, %mul3A_114 : i32
          %get3A_116 = arith.constant 1 : i32
          %get3A_117 = arith.index_cast %get3A_116 : i32 to index
          %get3A_118 = arith.index_cast %mul3A_115 : i32 to index
          %get3A_119 = tpu.vector_load %arg6[%get3A_117, %get3A_118] {strides = array<i32>} : memref<2x2048xi32, #tpu.memory_space<vmem>>, vector<16xi32>,
          %mul3A_120 = arith.constant 16 : i32
          %mul3A_121 = arith.muli %scan3A_113, %mul3A_120 : i32
          %get3A_122 = arith.index_cast %mul3A_121 : i32 to index
          %get3A_123 = tpu.vector_load %arg8[%get3A_122] {strides = array<i32>} : memref<2048xf32, #tpu.memory_space<vmem>>, vector<16xf32>,
          tpu.vector_store_idx %arg5[%get3A_119], %get3A_123 {add = true} : memref<100096xf32, #tpu.memory_space<vmem>>[vector<16xi32>], vector<16xf32>,
          %scan3A_124 = arith.constant 4 : i32
          %scan3A_125 = arith.addi %scan3A_78, %scan3A_124 : i32
          %mul3A_126 = arith.constant 16 : i32
          %mul3A_127 = arith.muli %scan3A_125, %mul3A_126 : i32
          %get3A_128 = arith.constant 1 : i32
          %get3A_129 = arith.index_cast %get3A_128 : i32 to index
          %get3A_130 = arith.index_cast %mul3A_127 : i32 to index
          %get3A_131 = tpu.vector_load %arg6[%get3A_129, %get3A_130] {strides = array<i32>} : memref<2x2048xi32, #tpu.memory_space<vmem>>, vector<16xi32>,
          %mul3A_132 = arith.constant 16 : i32
          %mul3A_133 = arith.muli %scan3A_125, %mul3A_132 : i32
          %get3A_134 = arith.index_cast %mul3A_133 : i32 to index
          %get3A_135 = tpu.vector_load %arg8[%get3A_134] {strides = array<i32>} : memref<2048xf32, #tpu.memory_space<vmem>>, vector<16xf32>,
          tpu.vector_store_idx %arg5[%get3A_131], %get3A_135 {add = true} : memref<100096xf32, #tpu.memory_space<vmem>>[vector<16xi32>], vector<16xf32>,
          %scan3A_136 = arith.constant 5 : i32
          %scan3A_137 = arith.addi %scan3A_78, %scan3A_136 : i32
          %mul3A_138 = arith.constant 16 : i32
          %mul3A_139 = arith.muli %scan3A_137, %mul3A_138 : i32
          %get3A_140 = arith.constant 1 : i32
          %get3A_141 = arith.index_cast %get3A_140 : i32 to index
          %get3A_142 = arith.index_cast %mul3A_139 : i32 to index
          %get3A_143 = tpu.vector_load %arg6[%get3A_141, %get3A_142] {strides = array<i32>} : memref<2x2048xi32, #tpu.memory_space<vmem>>, vector<16xi32>,
          %mul3A_144 = arith.constant 16 : i32
          %mul3A_145 = arith.muli %scan3A_137, %mul3A_144 : i32
          %get3A_146 = arith.index_cast %mul3A_145 : i32 to index
          %get3A_147 = tpu.vector_load %arg8[%get3A_146] {strides = array<i32>} : memref<2048xf32, #tpu.memory_space<vmem>>, vector<16xf32>,
          tpu.vector_store_idx %arg5[%get3A_143], %get3A_147 {add = true} : memref<100096xf32, #tpu.memory_space<vmem>>[vector<16xi32>], vector<16xf32>,
          %scan3A_148 = arith.constant 6 : i32
          %scan3A_149 = arith.addi %scan3A_78, %scan3A_148 : i32
          %mul3A_150 = arith.constant 16 : i32
          %mul3A_151 = arith.muli %scan3A_149, %mul3A_150 : i32
          %get3A_152 = arith.constant 1 : i32
          %get3A_153 = arith.index_cast %get3A_152 : i32 to index
          %get3A_154 = arith.index_cast %mul3A_151 : i32 to index
          %get3A_155 = tpu.vector_load %arg6[%get3A_153, %get3A_154] {strides = array<i32>} : memref<2x2048xi32, #tpu.memory_space<vmem>>, vector<16xi32>,
          %mul3A_156 = arith.constant 16 : i32
          %mul3A_157 = arith.muli %scan3A_149, %mul3A_156 : i32
          %get3A_158 = arith.index_cast %mul3A_157 : i32 to index
          %get3A_159 = tpu.vector_load %arg8[%get3A_158] {strides = array<i32>} : memref<2048xf32, #tpu.memory_space<vmem>>, vector<16xf32>,
          tpu.vector_store_idx %arg5[%get3A_155], %get3A_159 {add = true} : memref<100096xf32, #tpu.memory_space<vmem>>[vector<16xi32>], vector<16xf32>,
          %scan3A_160 = arith.constant 7 : i32
          %scan3A_161 = arith.addi %scan3A_78, %scan3A_160 : i32
          %mul3A_162 = arith.constant 16 : i32
          %mul3A_163 = arith.muli %scan3A_161, %mul3A_162 : i32
          %get3A_164 = arith.constant 1 : i32
          %get3A_165 = arith.index_cast %get3A_164 : i32 to index
          %get3A_166 = arith.index_cast %mul3A_163 : i32 to index
          %get3A_167 = tpu.vector_load %arg6[%get3A_165, %get3A_166] {strides = array<i32>} : memref<2x2048xi32, #tpu.memory_space<vmem>>, vector<16xi32>,
          %mul3A_168 = arith.constant 16 : i32
          %mul3A_169 = arith.muli %scan3A_161, %mul3A_168 : i32
          %get3A_170 = arith.index_cast %mul3A_169 : i32 to index
          %get3A_171 = tpu.vector_load %arg8[%get3A_170] {strides = array<i32>} : memref<2048xf32, #tpu.memory_space<vmem>>, vector<16xf32>,
          tpu.vector_store_idx %arg5[%get3A_167], %get3A_171 {add = true} : memref<100096xf32, #tpu.memory_space<vmem>>[vector<16xi32>], vector<16xf32>,
        }
        %scan3A_77 = arith.constant 128 : i32
      } else {
      }
      %add3A_47 = arith.constant 2 : i32
      %add3A_48 = arith.addi %mul3A_42, %add3A_47 : i32
      %lt3A_49 = arith.cmpi slt, %add3A_48, %add3A_8 : i32
      %convert_element_type3A_50 = arith.extui %lt3A_49 : i1 to i32
      %cond3A_51 = arith.constant 0 : i32
      %cond3A_52 = arith.cmpi ne, %convert_element_type3A_50, %cond3A_51 : i32
      scf.if %cond3A_52 {
        %add3A_63 = arith.constant 2 : i32
        %add3A_64 = arith.addi %mul3A_42, %add3A_63 : i32
        %add3A_65 = arith.addi %add3A_4, %add3A_64 : i32
        %mul3A_66 = arith.constant 2048 : i32
        %mul3A_67 = arith.muli %add3A_65, %mul3A_66 : i32
        %dma_start3A_68 = arith.constant 0 : i32
        %dma_start3A_69 = tpu.memref_slice %arg2[%dma_start3A_68, %mul3A_67] : memref<2x6400000xi32, #tpu.memory_space<hbm>> -> memref<2x2048xi32, #tpu.memory_space<hbm>>
        %dma_start3A_70 = arith.constant 0 : i32
        %dma_start3A_71 = tpu.memref_slice %arg2[%dma_start3A_70, %mul3A_67] : memref<2x6400000xi32, #tpu.memory_space<hbm>> -> memref<2x2048xi32, #tpu.memory_space<hbm>>
        tpu.enqueue_dma source(%dma_start3A_71 : memref<2x2048xi32, #tpu.memory_space<hbm>>) target(%arg6 : memref<2x2048xi32, #tpu.memory_space<vmem>>) target_semaphore(%arg10 : memref<!tpu.dma_semaphore, #tpu.memory_space<semaphore_mem>>)
        %dma_start3A_72 = tpu.memref_slice %arg3[%mul3A_67] : memref<6400000xf32, #tpu.memory_space<hbm>> -> memref<2048xf32, #tpu.memory_space<hbm>>
        %dma_start3A_73 = tpu.memref_slice %arg3[%mul3A_67] : memref<6400000xf32, #tpu.memory_space<hbm>> -> memref<2048xf32, #tpu.memory_space<hbm>>
        tpu.enqueue_dma source(%dma_start3A_73 : memref<2048xf32, #tpu.memory_space<hbm>>) target(%arg8 : memref<2048xf32, #tpu.memory_space<vmem>>) target_semaphore(%arg12 : memref<!tpu.dma_semaphore, #tpu.memory_space<semaphore_mem>>)
      } else {
      }
      %lt3A_53 = arith.cmpi slt, %add3A_44, %add3A_8 : i32
      %convert_element_type3A_54 = arith.extui %lt3A_53 : i1 to i32
      %cond3A_55 = arith.constant 0 : i32
      %cond3A_56 = arith.cmpi ne, %convert_element_type3A_54, %cond3A_55 : i32
      scf.if %cond3A_56 {
        %dma_wait3A = arith.constant 0 : i32
        %dma_wait3A_63 = arith.constant 0 : i32
        %dma_wait3A_64 = tpu.memref_slice %arg2[%dma_wait3A, %dma_wait3A_63] : memref<2x6400000xi32, #tpu.memory_space<hbm>> -> memref<2x2048xi32, #tpu.memory_space<hbm>>
        %dma_wait3A_65 = arith.constant 0 : i32
        %dma_wait3A_66 = arith.constant 0 : i32
        %dma_wait3A_67 = tpu.memref_slice %arg2[%dma_wait3A_65, %dma_wait3A_66] : memref<2x6400000xi32, #tpu.memory_space<hbm>> -> memref<2x2048xi32, #tpu.memory_space<hbm>>
        tpu.wait_dma2 semaphore(%arg11 : memref<!tpu.dma_semaphore, #tpu.memory_space<semaphore_mem>>) src(%dma_wait3A_67 : memref<2x2048xi32, #tpu.memory_space<hbm>>) dst(%arg7 : memref<2x2048xi32, #tpu.memory_space<vmem>>)
        %dma_wait3A_68 = arith.constant 0 : i32
        %dma_wait3A_69 = tpu.memref_slice %arg3[%dma_wait3A_68] : memref<6400000xf32, #tpu.memory_space<hbm>> -> memref<2048xf32, #tpu.memory_space<hbm>>
        %dma_wait3A_70 = arith.constant 0 : i32
        %dma_wait3A_71 = tpu.memref_slice %arg3[%dma_wait3A_70] : memref<6400000xf32, #tpu.memory_space<hbm>> -> memref<2048xf32, #tpu.memory_space<hbm>>
        tpu.wait_dma2 semaphore(%arg13 : memref<!tpu.dma_semaphore, #tpu.memory_space<semaphore_mem>>) src(%dma_wait3A_71 : memref<2048xf32, #tpu.memory_space<hbm>>) dst(%arg9 : memref<2048xf32, #tpu.memory_space<vmem>>)
        %scan3A_72 = arith.constant 0 : i32
        %scan3A_73 = arith.constant 0 : i32
        %scan3A_74 = arith.constant 128 : i32
        %scan3A_75 = arith.addi %scan3A_73, %scan3A_74 : i32
        %scan3A_76 = arith.constant 8 : i32
        scf.for %scan3A_78 = %scan3A_73 to %scan3A_75 step %scan3A_76  : i32 {
          %mul3A_79 = arith.constant 16 : i32
          %mul3A_80 = arith.muli %scan3A_78, %mul3A_79 : i32
          %get3A = arith.constant 1 : i32
          %get3A_81 = arith.index_cast %get3A : i32 to index
          %get3A_82 = arith.index_cast %mul3A_80 : i32 to index
          %get3A_83 = tpu.vector_load %arg7[%get3A_81, %get3A_82] {strides = array<i32>} : memref<2x2048xi32, #tpu.memory_space<vmem>>, vector<16xi32>,
          %mul3A_84 = arith.constant 16 : i32
          %mul3A_85 = arith.muli %scan3A_78, %mul3A_84 : i32
          %get3A_86 = arith.index_cast %mul3A_85 : i32 to index
          %get3A_87 = tpu.vector_load %arg9[%get3A_86] {strides = array<i32>} : memref<2048xf32, #tpu.memory_space<vmem>>, vector<16xf32>,
          tpu.vector_store_idx %arg5[%get3A_83], %get3A_87 {add = true} : memref<100096xf32, #tpu.memory_space<vmem>>[vector<16xi32>], vector<16xf32>,
          %scan3A_88 = arith.constant 1 : i32
          %scan3A_89 = arith.addi %scan3A_78, %scan3A_88 : i32
          %mul3A_90 = arith.constant 16 : i32
          %mul3A_91 = arith.muli %scan3A_89, %mul3A_90 : i32
          %get3A_92 = arith.constant 1 : i32
          %get3A_93 = arith.index_cast %get3A_92 : i32 to index
          %get3A_94 = arith.index_cast %mul3A_91 : i32 to index
          %get3A_95 = tpu.vector_load %arg7[%get3A_93, %get3A_94] {strides = array<i32>} : memref<2x2048xi32, #tpu.memory_space<vmem>>, vector<16xi32>,
          %mul3A_96 = arith.constant 16 : i32
          %mul3A_97 = arith.muli %scan3A_89, %mul3A_96 : i32
          %get3A_98 = arith.index_cast %mul3A_97 : i32 to index
          %get3A_99 = tpu.vector_load %arg9[%get3A_98] {strides = array<i32>} : memref<2048xf32, #tpu.memory_space<vmem>>, vector<16xf32>,
          tpu.vector_store_idx %arg5[%get3A_95], %get3A_99 {add = true} : memref<100096xf32, #tpu.memory_space<vmem>>[vector<16xi32>], vector<16xf32>,
          %scan3A_100 = arith.constant 2 : i32
          %scan3A_101 = arith.addi %scan3A_78, %scan3A_100 : i32
          %mul3A_102 = arith.constant 16 : i32
          %mul3A_103 = arith.muli %scan3A_101, %mul3A_102 : i32
          %get3A_104 = arith.constant 1 : i32
          %get3A_105 = arith.index_cast %get3A_104 : i32 to index
          %get3A_106 = arith.index_cast %mul3A_103 : i32 to index
          %get3A_107 = tpu.vector_load %arg7[%get3A_105, %get3A_106] {strides = array<i32>} : memref<2x2048xi32, #tpu.memory_space<vmem>>, vector<16xi32>,
          %mul3A_108 = arith.constant 16 : i32
          %mul3A_109 = arith.muli %scan3A_101, %mul3A_108 : i32
          %get3A_110 = arith.index_cast %mul3A_109 : i32 to index
          %get3A_111 = tpu.vector_load %arg9[%get3A_110] {strides = array<i32>} : memref<2048xf32, #tpu.memory_space<vmem>>, vector<16xf32>,
          tpu.vector_store_idx %arg5[%get3A_107], %get3A_111 {add = true} : memref<100096xf32, #tpu.memory_space<vmem>>[vector<16xi32>], vector<16xf32>,
          %scan3A_112 = arith.constant 3 : i32
          %scan3A_113 = arith.addi %scan3A_78, %scan3A_112 : i32
          %mul3A_114 = arith.constant 16 : i32
          %mul3A_115 = arith.muli %scan3A_113, %mul3A_114 : i32
          %get3A_116 = arith.constant 1 : i32
          %get3A_117 = arith.index_cast %get3A_116 : i32 to index
          %get3A_118 = arith.index_cast %mul3A_115 : i32 to index
          %get3A_119 = tpu.vector_load %arg7[%get3A_117, %get3A_118] {strides = array<i32>} : memref<2x2048xi32, #tpu.memory_space<vmem>>, vector<16xi32>,
          %mul3A_120 = arith.constant 16 : i32
          %mul3A_121 = arith.muli %scan3A_113, %mul3A_120 : i32
          %get3A_122 = arith.index_cast %mul3A_121 : i32 to index
          %get3A_123 = tpu.vector_load %arg9[%get3A_122] {strides = array<i32>} : memref<2048xf32, #tpu.memory_space<vmem>>, vector<16xf32>,
          tpu.vector_store_idx %arg5[%get3A_119], %get3A_123 {add = true} : memref<100096xf32, #tpu.memory_space<vmem>>[vector<16xi32>], vector<16xf32>,
          %scan3A_124 = arith.constant 4 : i32
          %scan3A_125 = arith.addi %scan3A_78, %scan3A_124 : i32
          %mul3A_126 = arith.constant 16 : i32
          %mul3A_127 = arith.muli %scan3A_125, %mul3A_126 : i32
          %get3A_128 = arith.constant 1 : i32
          %get3A_129 = arith.index_cast %get3A_128 : i32 to index
          %get3A_130 = arith.index_cast %mul3A_127 : i32 to index
          %get3A_131 = tpu.vector_load %arg7[%get3A_129, %get3A_130] {strides = array<i32>} : memref<2x2048xi32, #tpu.memory_space<vmem>>, vector<16xi32>,
          %mul3A_132 = arith.constant 16 : i32
          %mul3A_133 = arith.muli %scan3A_125, %mul3A_132 : i32
          %get3A_134 = arith.index_cast %mul3A_133 : i32 to index
          %get3A_135 = tpu.vector_load %arg9[%get3A_134] {strides = array<i32>} : memref<2048xf32, #tpu.memory_space<vmem>>, vector<16xf32>,
          tpu.vector_store_idx %arg5[%get3A_131], %get3A_135 {add = true} : memref<100096xf32, #tpu.memory_space<vmem>>[vector<16xi32>], vector<16xf32>,
          %scan3A_136 = arith.constant 5 : i32
          %scan3A_137 = arith.addi %scan3A_78, %scan3A_136 : i32
          %mul3A_138 = arith.constant 16 : i32
          %mul3A_139 = arith.muli %scan3A_137, %mul3A_138 : i32
          %get3A_140 = arith.constant 1 : i32
          %get3A_141 = arith.index_cast %get3A_140 : i32 to index
          %get3A_142 = arith.index_cast %mul3A_139 : i32 to index
          %get3A_143 = tpu.vector_load %arg7[%get3A_141, %get3A_142] {strides = array<i32>} : memref<2x2048xi32, #tpu.memory_space<vmem>>, vector<16xi32>,
          %mul3A_144 = arith.constant 16 : i32
          %mul3A_145 = arith.muli %scan3A_137, %mul3A_144 : i32
          %get3A_146 = arith.index_cast %mul3A_145 : i32 to index
          %get3A_147 = tpu.vector_load %arg9[%get3A_146] {strides = array<i32>} : memref<2048xf32, #tpu.memory_space<vmem>>, vector<16xf32>,
          tpu.vector_store_idx %arg5[%get3A_143], %get3A_147 {add = true} : memref<100096xf32, #tpu.memory_space<vmem>>[vector<16xi32>], vector<16xf32>,
          %scan3A_148 = arith.constant 6 : i32
          %scan3A_149 = arith.addi %scan3A_78, %scan3A_148 : i32
          %mul3A_150 = arith.constant 16 : i32
          %mul3A_151 = arith.muli %scan3A_149, %mul3A_150 : i32
          %get3A_152 = arith.constant 1 : i32
          %get3A_153 = arith.index_cast %get3A_152 : i32 to index
          %get3A_154 = arith.index_cast %mul3A_151 : i32 to index
          %get3A_155 = tpu.vector_load %arg7[%get3A_153, %get3A_154] {strides = array<i32>} : memref<2x2048xi32, #tpu.memory_space<vmem>>, vector<16xi32>,
          %mul3A_156 = arith.constant 16 : i32
          %mul3A_157 = arith.muli %scan3A_149, %mul3A_156 : i32
          %get3A_158 = arith.index_cast %mul3A_157 : i32 to index
          %get3A_159 = tpu.vector_load %arg9[%get3A_158] {strides = array<i32>} : memref<2048xf32, #tpu.memory_space<vmem>>, vector<16xf32>,
          tpu.vector_store_idx %arg5[%get3A_155], %get3A_159 {add = true} : memref<100096xf32, #tpu.memory_space<vmem>>[vector<16xi32>], vector<16xf32>,
          %scan3A_160 = arith.constant 7 : i32
          %scan3A_161 = arith.addi %scan3A_78, %scan3A_160 : i32
          %mul3A_162 = arith.constant 16 : i32
          %mul3A_163 = arith.muli %scan3A_161, %mul3A_162 : i32
          %get3A_164 = arith.constant 1 : i32
          %get3A_165 = arith.index_cast %get3A_164 : i32 to index
          %get3A_166 = arith.index_cast %mul3A_163 : i32 to index
          %get3A_167 = tpu.vector_load %arg7[%get3A_165, %get3A_166] {strides = array<i32>} : memref<2x2048xi32, #tpu.memory_space<vmem>>, vector<16xi32>,
          %mul3A_168 = arith.constant 16 : i32
          %mul3A_169 = arith.muli %scan3A_161, %mul3A_168 : i32
          %get3A_170 = arith.index_cast %mul3A_169 : i32 to index
          %get3A_171 = tpu.vector_load %arg9[%get3A_170] {strides = array<i32>} : memref<2048xf32, #tpu.memory_space<vmem>>, vector<16xf32>,
          tpu.vector_store_idx %arg5[%get3A_167], %get3A_171 {add = true} : memref<100096xf32, #tpu.memory_space<vmem>>[vector<16xi32>], vector<16xf32>,
        }
        %scan3A_77 = arith.constant 128 : i32
      } else {
      }
      %add3A_57 = arith.constant 2 : i32
      %add3A_58 = arith.addi %add3A_44, %add3A_57 : i32
      %lt3A_59 = arith.cmpi slt, %add3A_58, %add3A_8 : i32
      %convert_element_type3A_60 = arith.extui %lt3A_59 : i1 to i32
      %cond3A_61 = arith.constant 0 : i32
      %cond3A_62 = arith.cmpi ne, %convert_element_type3A_60, %cond3A_61 : i32
      scf.if %cond3A_62 {
        %add3A_63 = arith.constant 2 : i32
        %add3A_64 = arith.addi %add3A_44, %add3A_63 : i32
        %add3A_65 = arith.addi %add3A_4, %add3A_64 : i32
        %mul3A_66 = arith.constant 2048 : i32
        %mul3A_67 = arith.muli %add3A_65, %mul3A_66 : i32
        %dma_start3A_68 = arith.constant 0 : i32
        %dma_start3A_69 = tpu.memref_slice %arg2[%dma_start3A_68, %mul3A_67] : memref<2x6400000xi32, #tpu.memory_space<hbm>> -> memref<2x2048xi32, #tpu.memory_space<hbm>>
        %dma_start3A_70 = arith.constant 0 : i32
        %dma_start3A_71 = tpu.memref_slice %arg2[%dma_start3A_70, %mul3A_67] : memref<2x6400000xi32, #tpu.memory_space<hbm>> -> memref<2x2048xi32, #tpu.memory_space<hbm>>
        tpu.enqueue_dma source(%dma_start3A_71 : memref<2x2048xi32, #tpu.memory_space<hbm>>) target(%arg7 : memref<2x2048xi32, #tpu.memory_space<vmem>>) target_semaphore(%arg11 : memref<!tpu.dma_semaphore, #tpu.memory_space<semaphore_mem>>)
        %dma_start3A_72 = tpu.memref_slice %arg3[%mul3A_67] : memref<6400000xf32, #tpu.memory_space<hbm>> -> memref<2048xf32, #tpu.memory_space<hbm>>
        %dma_start3A_73 = tpu.memref_slice %arg3[%mul3A_67] : memref<6400000xf32, #tpu.memory_space<hbm>> -> memref<2048xf32, #tpu.memory_space<hbm>>
        tpu.enqueue_dma source(%dma_start3A_73 : memref<2048xf32, #tpu.memory_space<hbm>>) target(%arg9 : memref<2048xf32, #tpu.memory_space<vmem>>) target_semaphore(%arg13 : memref<!tpu.dma_semaphore, #tpu.memory_space<semaphore_mem>>)
      } else {
      }
    }
    %scan3A_39 = arith.constant 49 : i32
    %run_scoped3A = arith.constant 0 : i32
    "tpu.region"() ({
      %run_scoped3A_40 = tpu.sem_alloc : memref<!tpu.dma_semaphore, #tpu.memory_space<semaphore_mem>>
      %dma_start3A_41 = arith.constant 0 : i32
      %dma_start3A_42 = tpu.memref_slice %arg4[%add3A, %run_scoped3A, %dma_start3A_41] : memref<32x1x100096xf32, #tpu.memory_space<hbm>> -> memref<1x1x100096xf32, #tpu.memory_space<hbm>>
      %dma_start3A_43 = tpu.memref_squeeze %dma_start3A_42 : memref<1x1x100096xf32, #tpu.memory_space<hbm>> -> memref<100096xf32, #tpu.memory_space<hbm>>
      %dma_start3A_44 = arith.constant 0 : i32
      %dma_start3A_45 = tpu.memref_slice %arg4[%add3A, %run_scoped3A, %dma_start3A_44] : memref<32x1x100096xf32, #tpu.memory_space<hbm>> -> memref<1x1x100096xf32, #tpu.memory_space<hbm>>
      %dma_start3A_46 = tpu.memref_squeeze %dma_start3A_45 : memref<1x1x100096xf32, #tpu.memory_space<hbm>> -> memref<100096xf32, #tpu.memory_space<hbm>>
      tpu.enqueue_dma source(%arg5 : memref<100096xf32, #tpu.memory_space<vmem>>) target(%dma_start3A_46 : memref<100096xf32, #tpu.memory_space<hbm>>) target_semaphore(%run_scoped3A_40 : memref<!tpu.dma_semaphore, #tpu.memory_space<semaphore_mem>>)
      %dma_wait3A = arith.constant 0 : i32
      %dma_wait3A_47 = tpu.memref_slice %arg4[%add3A, %run_scoped3A, %dma_wait3A] : memref<32x1x100096xf32, #tpu.memory_space<hbm>> -> memref<1x1x100096xf32, #tpu.memory_space<hbm>>
      %dma_wait3A_48 = tpu.memref_squeeze %dma_wait3A_47 : memref<1x1x100096xf32, #tpu.memory_space<hbm>> -> memref<100096xf32, #tpu.memory_space<hbm>>
      %dma_wait3A_49 = arith.constant 0 : i32
      %dma_wait3A_50 = tpu.memref_slice %arg4[%add3A, %run_scoped3A, %dma_wait3A_49] : memref<32x1x100096xf32, #tpu.memory_space<hbm>> -> memref<1x1x100096xf32, #tpu.memory_space<hbm>>
      %dma_wait3A_51 = tpu.memref_squeeze %dma_wait3A_50 : memref<1x1x100096xf32, #tpu.memory_space<hbm>> -> memref<100096xf32, #tpu.memory_space<hbm>>
      tpu.wait_dma2 semaphore(%run_scoped3A_40 : memref<!tpu.dma_semaphore, #tpu.memory_space<semaphore_mem>>) src(%arg5 : memref<100096xf32, #tpu.memory_space<vmem>>) dst(%dma_wait3A_51 : memref<100096xf32, #tpu.memory_space<hbm>>)
      tpu.yield
    }) : () -> ()
    return
  }
}

#map = affine_map<(d0, d1) -> (0, 0)>
#map1 = affine_map<(d0, d1) -> (0)>
#map2 = affine_map<(d0, d1) -> (0, 0, 0)>
module attributes {stable_mosaic.version = 14 : i64} {
  func.func @scatter_k(%arg0: i32, %arg1: i32, %arg2: memref<2x6400000xi32, #tpu.memory_space<hbm>>, %arg3: memref<6400000xf32, #tpu.memory_space<hbm>>, %arg4: memref<32x1x100096xf32, #tpu.memory_space<hbm>>, %arg5: memref<100096xf32, #tpu.memory_space<vmem>>, %arg6: memref<2x2048xi32, #tpu.memory_space<vmem>>, %arg7: memref<2x2048xi32, #tpu.memory_space<vmem>>, %arg8: memref<2048xf32, #tpu.memory_space<vmem>>, %arg9: memref<2048xf32, #tpu.memory_space<vmem>>, %arg10: memref<!tpu.dma_semaphore, #tpu.memory_space<semaphore_mem>>, %arg11: memref<!tpu.dma_semaphore, #tpu.memory_space<semaphore_mem>>, %arg12: memref<!tpu.dma_semaphore, #tpu.memory_space<semaphore_mem>>, %arg13: memref<!tpu.dma_semaphore, #tpu.memory_space<semaphore_mem>>) attributes {dimension_semantics = [#tpu.dimension_semantics<core_parallel>, #tpu.dimension_semantics<subcore_parallel>], iteration_bounds = array<i64: 2, 16>, scalar_prefetch = 0 : i64, scratch_operands = 9 : i64, tpu.core_type = #tpu.core_type<sc_vector_subcore>, window_params = [{transform_indices = #map}, {transform_indices = #map1}, {transform_indices = #map2}]} {
    %mul3A = arith.constant 2 : i32
    %mul3A_0 = arith.muli %arg1, %mul3A : i32
    %add3A = arith.addi %mul3A_0, %arg0 : i32
    %mul3A_1 = arith.constant 97 : i32
    %mul3A_2 = arith.muli %add3A, %mul3A_1 : i32
    %min3A = arith.constant 21 : i32
    %min3A_3 = arith.minsi %add3A, %min3A : i32
    %add3A_4 = arith.addi %mul3A_2, %min3A_3 : i32
    %lt3A = arith.constant 21 : i32
    %lt3A_5 = arith.cmpi slt, %add3A, %lt3A : i32
    %jit3A = arith.constant 1 : i32
    %jit3A_6 = arith.constant 0 : i32
    %select_n3A = arith.select %lt3A_5, %jit3A, %jit3A_6 : i32
    %add3A_7 = arith.constant 97 : i32
    %add3A_8 = arith.addi %add3A_7, %select_n3A : i32
    %broadcast_in_dim3A = arith.constant 0.000000e+00 : f32
    %broadcast_in_dim3A_9 = vector.broadcast %broadcast_in_dim3A : f32 to vector<16xf32>
    %scan3A = arith.constant 0 : i32
    %scan3A_10 = arith.constant 0 : i32
    %scan3A_11 = arith.constant 6256 : i32
    %scan3A_12 = arith.addi %scan3A_10, %scan3A_11 : i32
    %scan3A_13 = arith.constant 8 : i32
    scf.for %scan3A_40 = %scan3A_10 to %scan3A_12 step %scan3A_13  : i32 {
      %mul3A_41 = arith.constant 16 : i32
      %mul3A_42 = arith.muli %scan3A_40, %mul3A_41 : i32
      %swap3A = arith.index_cast %mul3A_42 : i32 to index
      %swap3A_43 = tpu.vector_load %arg5[%swap3A] {strides = array<i32>} : memref<100096xf32, #tpu.memory_space<vmem>>, vector<16xf32>,
      tpu.vector_store %arg5[%swap3A], %broadcast_in_dim3A_9 {strides = array<i32>} : memref<100096xf32, #tpu.memory_space<vmem>>, vector<16xf32>,
      %scan3A_44 = arith.constant 1 : i32
      %scan3A_45 = arith.addi %scan3A_40, %scan3A_44 : i32
      %mul3A_46 = arith.constant 16 : i32
      %mul3A_47 = arith.muli %scan3A_45, %mul3A_46 : i32
      %swap3A_48 = arith.index_cast %mul3A_47 : i32 to index
      %swap3A_49 = tpu.vector_load %arg5[%swap3A_48] {strides = array<i32>} : memref<100096xf32, #tpu.memory_space<vmem>>, vector<16xf32>,
      tpu.vector_store %arg5[%swap3A_48], %broadcast_in_dim3A_9 {strides = array<i32>} : memref<100096xf32, #tpu.memory_space<vmem>>, vector<16xf32>,
      %scan3A_50 = arith.constant 2 : i32
      %scan3A_51 = arith.addi %scan3A_40, %scan3A_50 : i32
      %mul3A_52 = arith.constant 16 : i32
      %mul3A_53 = arith.muli %scan3A_51, %mul3A_52 : i32
      %swap3A_54 = arith.index_cast %mul3A_53 : i32 to index
      %swap3A_55 = tpu.vector_load %arg5[%swap3A_54] {strides = array<i32>} : memref<100096xf32, #tpu.memory_space<vmem>>, vector<16xf32>,
      tpu.vector_store %arg5[%swap3A_54], %broadcast_in_dim3A_9 {strides = array<i32>} : memref<100096xf32, #tpu.memory_space<vmem>>, vector<16xf32>,
      %scan3A_56 = arith.constant 3 : i32
      %scan3A_57 = arith.addi %scan3A_40, %scan3A_56 : i32
      %mul3A_58 = arith.constant 16 : i32
      %mul3A_59 = arith.muli %scan3A_57, %mul3A_58 : i32
      %swap3A_60 = arith.index_cast %mul3A_59 : i32 to index
      %swap3A_61 = tpu.vector_load %arg5[%swap3A_60] {strides = array<i32>} : memref<100096xf32, #tpu.memory_space<vmem>>, vector<16xf32>,
      tpu.vector_store %arg5[%swap3A_60], %broadcast_in_dim3A_9 {strides = array<i32>} : memref<100096xf32, #tpu.memory_space<vmem>>, vector<16xf32>,
      %scan3A_62 = arith.constant 4 : i32
      %scan3A_63 = arith.addi %scan3A_40, %scan3A_62 : i32
      %mul3A_64 = arith.constant 16 : i32
      %mul3A_65 = arith.muli %scan3A_63, %mul3A_64 : i32
      %swap3A_66 = arith.index_cast %mul3A_65 : i32 to index
      %swap3A_67 = tpu.vector_load %arg5[%swap3A_66] {strides = array<i32>} : memref<100096xf32, #tpu.memory_space<vmem>>, vector<16xf32>,
      tpu.vector_store %arg5[%swap3A_66], %broadcast_in_dim3A_9 {strides = array<i32>} : memref<100096xf32, #tpu.memory_space<vmem>>, vector<16xf32>,
      %scan3A_68 = arith.constant 5 : i32
      %scan3A_69 = arith.addi %scan3A_40, %scan3A_68 : i32
      %mul3A_70 = arith.constant 16 : i32
      %mul3A_71 = arith.muli %scan3A_69, %mul3A_70 : i32
      %swap3A_72 = arith.index_cast %mul3A_71 : i32 to index
      %swap3A_73 = tpu.vector_load %arg5[%swap3A_72] {strides = array<i32>} : memref<100096xf32, #tpu.memory_space<vmem>>, vector<16xf32>,
      tpu.vector_store %arg5[%swap3A_72], %broadcast_in_dim3A_9 {strides = array<i32>} : memref<100096xf32, #tpu.memory_space<vmem>>, vector<16xf32>,
      %scan3A_74 = arith.constant 6 : i32
      %scan3A_75 = arith.addi %scan3A_40, %scan3A_74 : i32
      %mul3A_76 = arith.constant 16 : i32
      %mul3A_77 = arith.muli %scan3A_75, %mul3A_76 : i32
      %swap3A_78 = arith.index_cast %mul3A_77 : i32 to index
      %swap3A_79 = tpu.vector_load %arg5[%swap3A_78] {strides = array<i32>} : memref<100096xf32, #tpu.memory_space<vmem>>, vector<16xf32>,
      tpu.vector_store %arg5[%swap3A_78], %broadcast_in_dim3A_9 {strides = array<i32>} : memref<100096xf32, #tpu.memory_space<vmem>>, vector<16xf32>,
      %scan3A_80 = arith.constant 7 : i32
      %scan3A_81 = arith.addi %scan3A_40, %scan3A_80 : i32
      %mul3A_82 = arith.constant 16 : i32
      %mul3A_83 = arith.muli %scan3A_81, %mul3A_82 : i32
      %swap3A_84 = arith.index_cast %mul3A_83 : i32 to index
      %swap3A_85 = tpu.vector_load %arg5[%swap3A_84] {strides = array<i32>} : memref<100096xf32, #tpu.memory_space<vmem>>, vector<16xf32>,
      tpu.vector_store %arg5[%swap3A_84], %broadcast_in_dim3A_9 {strides = array<i32>} : memref<100096xf32, #tpu.memory_space<vmem>>, vector<16xf32>,
    }
    %scan3A_14 = arith.constant 6256 : i32
    %add3A_15 = arith.constant 0 : i32
    %add3A_16 = arith.addi %add3A_4, %add3A_15 : i32
    %mul3A_17 = arith.constant 2048 : i32
    %mul3A_18 = arith.muli %add3A_16, %mul3A_17 : i32
    %dma_start3A = arith.constant 0 : i32
    %dma_start3A_19 = tpu.memref_slice %arg2[%dma_start3A, %mul3A_18] : memref<2x6400000xi32, #tpu.memory_space<hbm>> -> memref<2x2048xi32, #tpu.memory_space<hbm>>
    %dma_start3A_20 = arith.constant 0 : i32
    %dma_start3A_21 = tpu.memref_slice %arg2[%dma_start3A_20, %mul3A_18] : memref<2x6400000xi32, #tpu.memory_space<hbm>> -> memref<2x2048xi32, #tpu.memory_space<hbm>>
    tpu.enqueue_dma source(%dma_start3A_21 : memref<2x2048xi32, #tpu.memory_space<hbm>>) target(%arg6 : memref<2x2048xi32, #tpu.memory_space<vmem>>) target_semaphore(%arg10 : memref<!tpu.dma_semaphore, #tpu.memory_space<semaphore_mem>>)
    %dma_start3A_22 = tpu.memref_slice %arg3[%mul3A_18] : memref<6400000xf32, #tpu.memory_space<hbm>> -> memref<2048xf32, #tpu.memory_space<hbm>>
    %dma_start3A_23 = tpu.memref_slice %arg3[%mul3A_18] : memref<6400000xf32, #tpu.memory_space<hbm>> -> memref<2048xf32, #tpu.memory_space<hbm>>
    tpu.enqueue_dma source(%dma_start3A_23 : memref<2048xf32, #tpu.memory_space<hbm>>) target(%arg8 : memref<2048xf32, #tpu.memory_space<vmem>>) target_semaphore(%arg12 : memref<!tpu.dma_semaphore, #tpu.memory_space<semaphore_mem>>)
    %add3A_24 = arith.constant 1 : i32
    %add3A_25 = arith.addi %add3A_4, %add3A_24 : i32
    %mul3A_26 = arith.constant 2048 : i32
    %mul3A_27 = arith.muli %add3A_25, %mul3A_26 : i32
    %dma_start3A_28 = arith.constant 0 : i32
    %dma_start3A_29 = tpu.memref_slice %arg2[%dma_start3A_28, %mul3A_27] : memref<2x6400000xi32, #tpu.memory_space<hbm>> -> memref<2x2048xi32, #tpu.memory_space<hbm>>
    %dma_start3A_30 = arith.constant 0 : i32
    %dma_start3A_31 = tpu.memref_slice %arg2[%dma_start3A_30, %mul3A_27] : memref<2x6400000xi32, #tpu.memory_space<hbm>> -> memref<2x2048xi32, #tpu.memory_space<hbm>>
    tpu.enqueue_dma source(%dma_start3A_31 : memref<2x2048xi32, #tpu.memory_space<hbm>>) target(%arg7 : memref<2x2048xi32, #tpu.memory_space<vmem>>) target_semaphore(%arg11 : memref<!tpu.dma_semaphore, #tpu.memory_space<semaphore_mem>>)
    %dma_start3A_32 = tpu.memref_slice %arg3[%mul3A_27] : memref<6400000xf32, #tpu.memory_space<hbm>> -> memref<2048xf32, #tpu.memory_space<hbm>>
    %dma_start3A_33 = tpu.memref_slice %arg3[%mul3A_27] : memref<6400000xf32, #tpu.memory_space<hbm>> -> memref<2048xf32, #tpu.memory_space<hbm>>
    tpu.enqueue_dma source(%dma_start3A_33 : memref<2048xf32, #tpu.memory_space<hbm>>) target(%arg9 : memref<2048xf32, #tpu.memory_space<vmem>>) target_semaphore(%arg13 : memref<!tpu.dma_semaphore, #tpu.memory_space<semaphore_mem>>)
    %scan3A_34 = arith.constant 0 : i32
    %scan3A_35 = arith.constant 0 : i32
    %scan3A_36 = arith.constant 49 : i32
    %scan3A_37 = arith.addi %scan3A_35, %scan3A_36 : i32
    %scan3A_38 = arith.constant 1 : i32
    scf.for %scan3A_40 = %scan3A_35 to %scan3A_37 step %scan3A_38  : i32 {
      %mul3A_41 = arith.constant 2 : i32
      %mul3A_42 = arith.muli %scan3A_40, %mul3A_41 : i32
      %add3A_43 = arith.constant 1 : i32
      %add3A_44 = arith.addi %mul3A_42, %add3A_43 : i32
      %lt3A_45 = arith.cmpi slt, %mul3A_42, %add3A_8 : i32
      %convert_element_type3A = arith.extui %lt3A_45 : i1 to i32
      %cond3A = arith.constant 0 : i32
      %cond3A_46 = arith.cmpi ne, %convert_element_type3A, %cond3A : i32
      scf.if %cond3A_46 {
        %dma_wait3A = arith.constant 0 : i32
        %dma_wait3A_63 = arith.constant 0 : i32
        %dma_wait3A_64 = tpu.memref_slice %arg2[%dma_wait3A, %dma_wait3A_63] : memref<2x6400000xi32, #tpu.memory_space<hbm>> -> memref<2x2048xi32, #tpu.memory_space<hbm>>
        %dma_wait3A_65 = arith.constant 0 : i32
        %dma_wait3A_66 = arith.constant 0 : i32
        %dma_wait3A_67 = tpu.memref_slice %arg2[%dma_wait3A_65, %dma_wait3A_66] : memref<2x6400000xi32, #tpu.memory_space<hbm>> -> memref<2x2048xi32, #tpu.memory_space<hbm>>
        tpu.wait_dma2 semaphore(%arg10 : memref<!tpu.dma_semaphore, #tpu.memory_space<semaphore_mem>>) src(%dma_wait3A_67 : memref<2x2048xi32, #tpu.memory_space<hbm>>) dst(%arg6 : memref<2x2048xi32, #tpu.memory_space<vmem>>)
        %dma_wait3A_68 = arith.constant 0 : i32
        %dma_wait3A_69 = tpu.memref_slice %arg3[%dma_wait3A_68] : memref<6400000xf32, #tpu.memory_space<hbm>> -> memref<2048xf32, #tpu.memory_space<hbm>>
        %dma_wait3A_70 = arith.constant 0 : i32
        %dma_wait3A_71 = tpu.memref_slice %arg3[%dma_wait3A_70] : memref<6400000xf32, #tpu.memory_space<hbm>> -> memref<2048xf32, #tpu.memory_space<hbm>>
        tpu.wait_dma2 semaphore(%arg12 : memref<!tpu.dma_semaphore, #tpu.memory_space<semaphore_mem>>) src(%dma_wait3A_71 : memref<2048xf32, #tpu.memory_space<hbm>>) dst(%arg8 : memref<2048xf32, #tpu.memory_space<vmem>>)
        %scan3A_72 = arith.constant 0 : i32
        %scan3A_73 = arith.constant 0 : i32
        %scan3A_74 = arith.constant 128 : i32
        %scan3A_75 = arith.addi %scan3A_73, %scan3A_74 : i32
        %scan3A_76 = arith.constant 8 : i32
        scf.for %scan3A_78 = %scan3A_73 to %scan3A_75 step %scan3A_76  : i32 {
          %mul3A_79 = arith.constant 16 : i32
          %mul3A_80 = arith.muli %scan3A_78, %mul3A_79 : i32
          %get3A = arith.constant 1 : i32
          %get3A_81 = arith.index_cast %get3A : i32 to index
          %get3A_82 = arith.index_cast %mul3A_80 : i32 to index
          %get3A_83 = tpu.vector_load %arg6[%get3A_81, %get3A_82] {strides = array<i32>} : memref<2x2048xi32, #tpu.memory_space<vmem>>, vector<16xi32>,
          %mul3A_84 = arith.constant 16 : i32
          %mul3A_85 = arith.muli %scan3A_78, %mul3A_84 : i32
          %get3A_86 = arith.index_cast %mul3A_85 : i32 to index
          %get3A_87 = tpu.vector_load %arg8[%get3A_86] {strides = array<i32>} : memref<2048xf32, #tpu.memory_space<vmem>>, vector<16xf32>,
          tpu.vector_store_idx %arg5[%get3A_83], %get3A_87 {add = true} : memref<100096xf32, #tpu.memory_space<vmem>>[vector<16xi32>], vector<16xf32>,
          %scan3A_88 = arith.constant 1 : i32
          %scan3A_89 = arith.addi %scan3A_78, %scan3A_88 : i32
          %mul3A_90 = arith.constant 16 : i32
          %mul3A_91 = arith.muli %scan3A_89, %mul3A_90 : i32
          %get3A_92 = arith.constant 1 : i32
          %get3A_93 = arith.index_cast %get3A_92 : i32 to index
          %get3A_94 = arith.index_cast %mul3A_91 : i32 to index
          %get3A_95 = tpu.vector_load %arg6[%get3A_93, %get3A_94] {strides = array<i32>} : memref<2x2048xi32, #tpu.memory_space<vmem>>, vector<16xi32>,
          %mul3A_96 = arith.constant 16 : i32
          %mul3A_97 = arith.muli %scan3A_89, %mul3A_96 : i32
          %get3A_98 = arith.index_cast %mul3A_97 : i32 to index
          %get3A_99 = tpu.vector_load %arg8[%get3A_98] {strides = array<i32>} : memref<2048xf32, #tpu.memory_space<vmem>>, vector<16xf32>,
          tpu.vector_store_idx %arg5[%get3A_95], %get3A_99 {add = true} : memref<100096xf32, #tpu.memory_space<vmem>>[vector<16xi32>], vector<16xf32>,
          %scan3A_100 = arith.constant 2 : i32
          %scan3A_101 = arith.addi %scan3A_78, %scan3A_100 : i32
          %mul3A_102 = arith.constant 16 : i32
          %mul3A_103 = arith.muli %scan3A_101, %mul3A_102 : i32
          %get3A_104 = arith.constant 1 : i32
          %get3A_105 = arith.index_cast %get3A_104 : i32 to index
          %get3A_106 = arith.index_cast %mul3A_103 : i32 to index
          %get3A_107 = tpu.vector_load %arg6[%get3A_105, %get3A_106] {strides = array<i32>} : memref<2x2048xi32, #tpu.memory_space<vmem>>, vector<16xi32>,
          %mul3A_108 = arith.constant 16 : i32
          %mul3A_109 = arith.muli %scan3A_101, %mul3A_108 : i32
          %get3A_110 = arith.index_cast %mul3A_109 : i32 to index
          %get3A_111 = tpu.vector_load %arg8[%get3A_110] {strides = array<i32>} : memref<2048xf32, #tpu.memory_space<vmem>>, vector<16xf32>,
          tpu.vector_store_idx %arg5[%get3A_107], %get3A_111 {add = true} : memref<100096xf32, #tpu.memory_space<vmem>>[vector<16xi32>], vector<16xf32>,
          %scan3A_112 = arith.constant 3 : i32
          %scan3A_113 = arith.addi %scan3A_78, %scan3A_112 : i32
          %mul3A_114 = arith.constant 16 : i32
          %mul3A_115 = arith.muli %scan3A_113, %mul3A_114 : i32
          %get3A_116 = arith.constant 1 : i32
          %get3A_117 = arith.index_cast %get3A_116 : i32 to index
          %get3A_118 = arith.index_cast %mul3A_115 : i32 to index
          %get3A_119 = tpu.vector_load %arg6[%get3A_117, %get3A_118] {strides = array<i32>} : memref<2x2048xi32, #tpu.memory_space<vmem>>, vector<16xi32>,
          %mul3A_120 = arith.constant 16 : i32
          %mul3A_121 = arith.muli %scan3A_113, %mul3A_120 : i32
          %get3A_122 = arith.index_cast %mul3A_121 : i32 to index
          %get3A_123 = tpu.vector_load %arg8[%get3A_122] {strides = array<i32>} : memref<2048xf32, #tpu.memory_space<vmem>>, vector<16xf32>,
          tpu.vector_store_idx %arg5[%get3A_119], %get3A_123 {add = true} : memref<100096xf32, #tpu.memory_space<vmem>>[vector<16xi32>], vector<16xf32>,
          %scan3A_124 = arith.constant 4 : i32
          %scan3A_125 = arith.addi %scan3A_78, %scan3A_124 : i32
          %mul3A_126 = arith.constant 16 : i32
          %mul3A_127 = arith.muli %scan3A_125, %mul3A_126 : i32
          %get3A_128 = arith.constant 1 : i32
          %get3A_129 = arith.index_cast %get3A_128 : i32 to index
          %get3A_130 = arith.index_cast %mul3A_127 : i32 to index
          %get3A_131 = tpu.vector_load %arg6[%get3A_129, %get3A_130] {strides = array<i32>} : memref<2x2048xi32, #tpu.memory_space<vmem>>, vector<16xi32>,
          %mul3A_132 = arith.constant 16 : i32
          %mul3A_133 = arith.muli %scan3A_125, %mul3A_132 : i32
          %get3A_134 = arith.index_cast %mul3A_133 : i32 to index
          %get3A_135 = tpu.vector_load %arg8[%get3A_134] {strides = array<i32>} : memref<2048xf32, #tpu.memory_space<vmem>>, vector<16xf32>,
          tpu.vector_store_idx %arg5[%get3A_131], %get3A_135 {add = true} : memref<100096xf32, #tpu.memory_space<vmem>>[vector<16xi32>], vector<16xf32>,
          %scan3A_136 = arith.constant 5 : i32
          %scan3A_137 = arith.addi %scan3A_78, %scan3A_136 : i32
          %mul3A_138 = arith.constant 16 : i32
          %mul3A_139 = arith.muli %scan3A_137, %mul3A_138 : i32
          %get3A_140 = arith.constant 1 : i32
          %get3A_141 = arith.index_cast %get3A_140 : i32 to index
          %get3A_142 = arith.index_cast %mul3A_139 : i32 to index
          %get3A_143 = tpu.vector_load %arg6[%get3A_141, %get3A_142] {strides = array<i32>} : memref<2x2048xi32, #tpu.memory_space<vmem>>, vector<16xi32>,
          %mul3A_144 = arith.constant 16 : i32
          %mul3A_145 = arith.muli %scan3A_137, %mul3A_144 : i32
          %get3A_146 = arith.index_cast %mul3A_145 : i32 to index
          %get3A_147 = tpu.vector_load %arg8[%get3A_146] {strides = array<i32>} : memref<2048xf32, #tpu.memory_space<vmem>>, vector<16xf32>,
          tpu.vector_store_idx %arg5[%get3A_143], %get3A_147 {add = true} : memref<100096xf32, #tpu.memory_space<vmem>>[vector<16xi32>], vector<16xf32>,
          %scan3A_148 = arith.constant 6 : i32
          %scan3A_149 = arith.addi %scan3A_78, %scan3A_148 : i32
          %mul3A_150 = arith.constant 16 : i32
          %mul3A_151 = arith.muli %scan3A_149, %mul3A_150 : i32
          %get3A_152 = arith.constant 1 : i32
          %get3A_153 = arith.index_cast %get3A_152 : i32 to index
          %get3A_154 = arith.index_cast %mul3A_151 : i32 to index
          %get3A_155 = tpu.vector_load %arg6[%get3A_153, %get3A_154] {strides = array<i32>} : memref<2x2048xi32, #tpu.memory_space<vmem>>, vector<16xi32>,
          %mul3A_156 = arith.constant 16 : i32
          %mul3A_157 = arith.muli %scan3A_149, %mul3A_156 : i32
          %get3A_158 = arith.index_cast %mul3A_157 : i32 to index
          %get3A_159 = tpu.vector_load %arg8[%get3A_158] {strides = array<i32>} : memref<2048xf32, #tpu.memory_space<vmem>>, vector<16xf32>,
          tpu.vector_store_idx %arg5[%get3A_155], %get3A_159 {add = true} : memref<100096xf32, #tpu.memory_space<vmem>>[vector<16xi32>], vector<16xf32>,
          %scan3A_160 = arith.constant 7 : i32
          %scan3A_161 = arith.addi %scan3A_78, %scan3A_160 : i32
          %mul3A_162 = arith.constant 16 : i32
          %mul3A_163 = arith.muli %scan3A_161, %mul3A_162 : i32
          %get3A_164 = arith.constant 1 : i32
          %get3A_165 = arith.index_cast %get3A_164 : i32 to index
          %get3A_166 = arith.index_cast %mul3A_163 : i32 to index
          %get3A_167 = tpu.vector_load %arg6[%get3A_165, %get3A_166] {strides = array<i32>} : memref<2x2048xi32, #tpu.memory_space<vmem>>, vector<16xi32>,
          %mul3A_168 = arith.constant 16 : i32
          %mul3A_169 = arith.muli %scan3A_161, %mul3A_168 : i32
          %get3A_170 = arith.index_cast %mul3A_169 : i32 to index
          %get3A_171 = tpu.vector_load %arg8[%get3A_170] {strides = array<i32>} : memref<2048xf32, #tpu.memory_space<vmem>>, vector<16xf32>,
          tpu.vector_store_idx %arg5[%get3A_167], %get3A_171 {add = true} : memref<100096xf32, #tpu.memory_space<vmem>>[vector<16xi32>], vector<16xf32>,
        }
        %scan3A_77 = arith.constant 128 : i32
      } else {
      }
      %add3A_47 = arith.constant 2 : i32
      %add3A_48 = arith.addi %mul3A_42, %add3A_47 : i32
      %lt3A_49 = arith.cmpi slt, %add3A_48, %add3A_8 : i32
      %convert_element_type3A_50 = arith.extui %lt3A_49 : i1 to i32
      %cond3A_51 = arith.constant 0 : i32
      %cond3A_52 = arith.cmpi ne, %convert_element_type3A_50, %cond3A_51 : i32
      scf.if %cond3A_52 {
        %add3A_63 = arith.constant 2 : i32
        %add3A_64 = arith.addi %mul3A_42, %add3A_63 : i32
        %add3A_65 = arith.addi %add3A_4, %add3A_64 : i32
        %mul3A_66 = arith.constant 2048 : i32
        %mul3A_67 = arith.muli %add3A_65, %mul3A_66 : i32
        %dma_start3A_68 = arith.constant 0 : i32
        %dma_start3A_69 = tpu.memref_slice %arg2[%dma_start3A_68, %mul3A_67] : memref<2x6400000xi32, #tpu.memory_space<hbm>> -> memref<2x2048xi32, #tpu.memory_space<hbm>>
        %dma_start3A_70 = arith.constant 0 : i32
        %dma_start3A_71 = tpu.memref_slice %arg2[%dma_start3A_70, %mul3A_67] : memref<2x6400000xi32, #tpu.memory_space<hbm>> -> memref<2x2048xi32, #tpu.memory_space<hbm>>
        tpu.enqueue_dma source(%dma_start3A_71 : memref<2x2048xi32, #tpu.memory_space<hbm>>) target(%arg6 : memref<2x2048xi32, #tpu.memory_space<vmem>>) target_semaphore(%arg10 : memref<!tpu.dma_semaphore, #tpu.memory_space<semaphore_mem>>)
        %dma_start3A_72 = tpu.memref_slice %arg3[%mul3A_67] : memref<6400000xf32, #tpu.memory_space<hbm>> -> memref<2048xf32, #tpu.memory_space<hbm>>
        %dma_start3A_73 = tpu.memref_slice %arg3[%mul3A_67] : memref<6400000xf32, #tpu.memory_space<hbm>> -> memref<2048xf32, #tpu.memory_space<hbm>>
        tpu.enqueue_dma source(%dma_start3A_73 : memref<2048xf32, #tpu.memory_space<hbm>>) target(%arg8 : memref<2048xf32, #tpu.memory_space<vmem>>) target_semaphore(%arg12 : memref<!tpu.dma_semaphore, #tpu.memory_space<semaphore_mem>>)
      } else {
      }
      %lt3A_53 = arith.cmpi slt, %add3A_44, %add3A_8 : i32
      %convert_element_type3A_54 = arith.extui %lt3A_53 : i1 to i32
      %cond3A_55 = arith.constant 0 : i32
      %cond3A_56 = arith.cmpi ne, %convert_element_type3A_54, %cond3A_55 : i32
      scf.if %cond3A_56 {
        %dma_wait3A = arith.constant 0 : i32
        %dma_wait3A_63 = arith.constant 0 : i32
        %dma_wait3A_64 = tpu.memref_slice %arg2[%dma_wait3A, %dma_wait3A_63] : memref<2x6400000xi32, #tpu.memory_space<hbm>> -> memref<2x2048xi32, #tpu.memory_space<hbm>>
        %dma_wait3A_65 = arith.constant 0 : i32
        %dma_wait3A_66 = arith.constant 0 : i32
        %dma_wait3A_67 = tpu.memref_slice %arg2[%dma_wait3A_65, %dma_wait3A_66] : memref<2x6400000xi32, #tpu.memory_space<hbm>> -> memref<2x2048xi32, #tpu.memory_space<hbm>>
        tpu.wait_dma2 semaphore(%arg11 : memref<!tpu.dma_semaphore, #tpu.memory_space<semaphore_mem>>) src(%dma_wait3A_67 : memref<2x2048xi32, #tpu.memory_space<hbm>>) dst(%arg7 : memref<2x2048xi32, #tpu.memory_space<vmem>>)
        %dma_wait3A_68 = arith.constant 0 : i32
        %dma_wait3A_69 = tpu.memref_slice %arg3[%dma_wait3A_68] : memref<6400000xf32, #tpu.memory_space<hbm>> -> memref<2048xf32, #tpu.memory_space<hbm>>
        %dma_wait3A_70 = arith.constant 0 : i32
        %dma_wait3A_71 = tpu.memref_slice %arg3[%dma_wait3A_70] : memref<6400000xf32, #tpu.memory_space<hbm>> -> memref<2048xf32, #tpu.memory_space<hbm>>
        tpu.wait_dma2 semaphore(%arg13 : memref<!tpu.dma_semaphore, #tpu.memory_space<semaphore_mem>>) src(%dma_wait3A_71 : memref<2048xf32, #tpu.memory_space<hbm>>) dst(%arg9 : memref<2048xf32, #tpu.memory_space<vmem>>)
        %scan3A_72 = arith.constant 0 : i32
        %scan3A_73 = arith.constant 0 : i32
        %scan3A_74 = arith.constant 128 : i32
        %scan3A_75 = arith.addi %scan3A_73, %scan3A_74 : i32
        %scan3A_76 = arith.constant 8 : i32
        scf.for %scan3A_78 = %scan3A_73 to %scan3A_75 step %scan3A_76  : i32 {
          %mul3A_79 = arith.constant 16 : i32
          %mul3A_80 = arith.muli %scan3A_78, %mul3A_79 : i32
          %get3A = arith.constant 1 : i32
          %get3A_81 = arith.index_cast %get3A : i32 to index
          %get3A_82 = arith.index_cast %mul3A_80 : i32 to index
          %get3A_83 = tpu.vector_load %arg7[%get3A_81, %get3A_82] {strides = array<i32>} : memref<2x2048xi32, #tpu.memory_space<vmem>>, vector<16xi32>,
          %mul3A_84 = arith.constant 16 : i32
          %mul3A_85 = arith.muli %scan3A_78, %mul3A_84 : i32
          %get3A_86 = arith.index_cast %mul3A_85 : i32 to index
          %get3A_87 = tpu.vector_load %arg9[%get3A_86] {strides = array<i32>} : memref<2048xf32, #tpu.memory_space<vmem>>, vector<16xf32>,
          tpu.vector_store_idx %arg5[%get3A_83], %get3A_87 {add = true} : memref<100096xf32, #tpu.memory_space<vmem>>[vector<16xi32>], vector<16xf32>,
          %scan3A_88 = arith.constant 1 : i32
          %scan3A_89 = arith.addi %scan3A_78, %scan3A_88 : i32
          %mul3A_90 = arith.constant 16 : i32
          %mul3A_91 = arith.muli %scan3A_89, %mul3A_90 : i32
          %get3A_92 = arith.constant 1 : i32
          %get3A_93 = arith.index_cast %get3A_92 : i32 to index
          %get3A_94 = arith.index_cast %mul3A_91 : i32 to index
          %get3A_95 = tpu.vector_load %arg7[%get3A_93, %get3A_94] {strides = array<i32>} : memref<2x2048xi32, #tpu.memory_space<vmem>>, vector<16xi32>,
          %mul3A_96 = arith.constant 16 : i32
          %mul3A_97 = arith.muli %scan3A_89, %mul3A_96 : i32
          %get3A_98 = arith.index_cast %mul3A_97 : i32 to index
          %get3A_99 = tpu.vector_load %arg9[%get3A_98] {strides = array<i32>} : memref<2048xf32, #tpu.memory_space<vmem>>, vector<16xf32>,
          tpu.vector_store_idx %arg5[%get3A_95], %get3A_99 {add = true} : memref<100096xf32, #tpu.memory_space<vmem>>[vector<16xi32>], vector<16xf32>,
          %scan3A_100 = arith.constant 2 : i32
          %scan3A_101 = arith.addi %scan3A_78, %scan3A_100 : i32
          %mul3A_102 = arith.constant 16 : i32
          %mul3A_103 = arith.muli %scan3A_101, %mul3A_102 : i32
          %get3A_104 = arith.constant 1 : i32
          %get3A_105 = arith.index_cast %get3A_104 : i32 to index
          %get3A_106 = arith.index_cast %mul3A_103 : i32 to index
          %get3A_107 = tpu.vector_load %arg7[%get3A_105, %get3A_106] {strides = array<i32>} : memref<2x2048xi32, #tpu.memory_space<vmem>>, vector<16xi32>,
          %mul3A_108 = arith.constant 16 : i32
          %mul3A_109 = arith.muli %scan3A_101, %mul3A_108 : i32
          %get3A_110 = arith.index_cast %mul3A_109 : i32 to index
          %get3A_111 = tpu.vector_load %arg9[%get3A_110] {strides = array<i32>} : memref<2048xf32, #tpu.memory_space<vmem>>, vector<16xf32>,
          tpu.vector_store_idx %arg5[%get3A_107], %get3A_111 {add = true} : memref<100096xf32, #tpu.memory_space<vmem>>[vector<16xi32>], vector<16xf32>,
          %scan3A_112 = arith.constant 3 : i32
          %scan3A_113 = arith.addi %scan3A_78, %scan3A_112 : i32
          %mul3A_114 = arith.constant 16 : i32
          %mul3A_115 = arith.muli %scan3A_113, %mul3A_114 : i32
          %get3A_116 = arith.constant 1 : i32
          %get3A_117 = arith.index_cast %get3A_116 : i32 to index
          %get3A_118 = arith.index_cast %mul3A_115 : i32 to index
          %get3A_119 = tpu.vector_load %arg7[%get3A_117, %get3A_118] {strides = array<i32>} : memref<2x2048xi32, #tpu.memory_space<vmem>>, vector<16xi32>,
          %mul3A_120 = arith.constant 16 : i32
          %mul3A_121 = arith.muli %scan3A_113, %mul3A_120 : i32
          %get3A_122 = arith.index_cast %mul3A_121 : i32 to index
          %get3A_123 = tpu.vector_load %arg9[%get3A_122] {strides = array<i32>} : memref<2048xf32, #tpu.memory_space<vmem>>, vector<16xf32>,
          tpu.vector_store_idx %arg5[%get3A_119], %get3A_123 {add = true} : memref<100096xf32, #tpu.memory_space<vmem>>[vector<16xi32>], vector<16xf32>,
          %scan3A_124 = arith.constant 4 : i32
          %scan3A_125 = arith.addi %scan3A_78, %scan3A_124 : i32
          %mul3A_126 = arith.constant 16 : i32
          %mul3A_127 = arith.muli %scan3A_125, %mul3A_126 : i32
          %get3A_128 = arith.constant 1 : i32
          %get3A_129 = arith.index_cast %get3A_128 : i32 to index
          %get3A_130 = arith.index_cast %mul3A_127 : i32 to index
          %get3A_131 = tpu.vector_load %arg7[%get3A_129, %get3A_130] {strides = array<i32>} : memref<2x2048xi32, #tpu.memory_space<vmem>>, vector<16xi32>,
          %mul3A_132 = arith.constant 16 : i32
          %mul3A_133 = arith.muli %scan3A_125, %mul3A_132 : i32
          %get3A_134 = arith.index_cast %mul3A_133 : i32 to index
          %get3A_135 = tpu.vector_load %arg9[%get3A_134] {strides = array<i32>} : memref<2048xf32, #tpu.memory_space<vmem>>, vector<16xf32>,
          tpu.vector_store_idx %arg5[%get3A_131], %get3A_135 {add = true} : memref<100096xf32, #tpu.memory_space<vmem>>[vector<16xi32>], vector<16xf32>,
          %scan3A_136 = arith.constant 5 : i32
          %scan3A_137 = arith.addi %scan3A_78, %scan3A_136 : i32
          %mul3A_138 = arith.constant 16 : i32
          %mul3A_139 = arith.muli %scan3A_137, %mul3A_138 : i32
          %get3A_140 = arith.constant 1 : i32
          %get3A_141 = arith.index_cast %get3A_140 : i32 to index
          %get3A_142 = arith.index_cast %mul3A_139 : i32 to index
          %get3A_143 = tpu.vector_load %arg7[%get3A_141, %get3A_142] {strides = array<i32>} : memref<2x2048xi32, #tpu.memory_space<vmem>>, vector<16xi32>,
          %mul3A_144 = arith.constant 16 : i32
          %mul3A_145 = arith.muli %scan3A_137, %mul3A_144 : i32
          %get3A_146 = arith.index_cast %mul3A_145 : i32 to index
          %get3A_147 = tpu.vector_load %arg9[%get3A_146] {strides = array<i32>} : memref<2048xf32, #tpu.memory_space<vmem>>, vector<16xf32>,
          tpu.vector_store_idx %arg5[%get3A_143], %get3A_147 {add = true} : memref<100096xf32, #tpu.memory_space<vmem>>[vector<16xi32>], vector<16xf32>,
          %scan3A_148 = arith.constant 6 : i32
          %scan3A_149 = arith.addi %scan3A_78, %scan3A_148 : i32
          %mul3A_150 = arith.constant 16 : i32
          %mul3A_151 = arith.muli %scan3A_149, %mul3A_150 : i32
          %get3A_152 = arith.constant 1 : i32
          %get3A_153 = arith.index_cast %get3A_152 : i32 to index
          %get3A_154 = arith.index_cast %mul3A_151 : i32 to index
          %get3A_155 = tpu.vector_load %arg7[%get3A_153, %get3A_154] {strides = array<i32>} : memref<2x2048xi32, #tpu.memory_space<vmem>>, vector<16xi32>,
          %mul3A_156 = arith.constant 16 : i32
          %mul3A_157 = arith.muli %scan3A_149, %mul3A_156 : i32
          %get3A_158 = arith.index_cast %mul3A_157 : i32 to index
          %get3A_159 = tpu.vector_load %arg9[%get3A_158] {strides = array<i32>} : memref<2048xf32, #tpu.memory_space<vmem>>, vector<16xf32>,
          tpu.vector_store_idx %arg5[%get3A_155], %get3A_159 {add = true} : memref<100096xf32, #tpu.memory_space<vmem>>[vector<16xi32>], vector<16xf32>,
          %scan3A_160 = arith.constant 7 : i32
          %scan3A_161 = arith.addi %scan3A_78, %scan3A_160 : i32
          %mul3A_162 = arith.constant 16 : i32
          %mul3A_163 = arith.muli %scan3A_161, %mul3A_162 : i32
          %get3A_164 = arith.constant 1 : i32
          %get3A_165 = arith.index_cast %get3A_164 : i32 to index
          %get3A_166 = arith.index_cast %mul3A_163 : i32 to index
          %get3A_167 = tpu.vector_load %arg7[%get3A_165, %get3A_166] {strides = array<i32>} : memref<2x2048xi32, #tpu.memory_space<vmem>>, vector<16xi32>,
          %mul3A_168 = arith.constant 16 : i32
          %mul3A_169 = arith.muli %scan3A_161, %mul3A_168 : i32
          %get3A_170 = arith.index_cast %mul3A_169 : i32 to index
          %get3A_171 = tpu.vector_load %arg9[%get3A_170] {strides = array<i32>} : memref<2048xf32, #tpu.memory_space<vmem>>, vector<16xf32>,
          tpu.vector_store_idx %arg5[%get3A_167], %get3A_171 {add = true} : memref<100096xf32, #tpu.memory_space<vmem>>[vector<16xi32>], vector<16xf32>,
        }
        %scan3A_77 = arith.constant 128 : i32
      } else {
      }
      %add3A_57 = arith.constant 2 : i32
      %add3A_58 = arith.addi %add3A_44, %add3A_57 : i32
      %lt3A_59 = arith.cmpi slt, %add3A_58, %add3A_8 : i32
      %convert_element_type3A_60 = arith.extui %lt3A_59 : i1 to i32
      %cond3A_61 = arith.constant 0 : i32
      %cond3A_62 = arith.cmpi ne, %convert_element_type3A_60, %cond3A_61 : i32
      scf.if %cond3A_62 {
        %add3A_63 = arith.constant 2 : i32
        %add3A_64 = arith.addi %add3A_44, %add3A_63 : i32
        %add3A_65 = arith.addi %add3A_4, %add3A_64 : i32
        %mul3A_66 = arith.constant 2048 : i32
        %mul3A_67 = arith.muli %add3A_65, %mul3A_66 : i32
        %dma_start3A_68 = arith.constant 0 : i32
        %dma_start3A_69 = tpu.memref_slice %arg2[%dma_start3A_68, %mul3A_67] : memref<2x6400000xi32, #tpu.memory_space<hbm>> -> memref<2x2048xi32, #tpu.memory_space<hbm>>
        %dma_start3A_70 = arith.constant 0 : i32
        %dma_start3A_71 = tpu.memref_slice %arg2[%dma_start3A_70, %mul3A_67] : memref<2x6400000xi32, #tpu.memory_space<hbm>> -> memref<2x2048xi32, #tpu.memory_space<hbm>>
        tpu.enqueue_dma source(%dma_start3A_71 : memref<2x2048xi32, #tpu.memory_space<hbm>>) target(%arg7 : memref<2x2048xi32, #tpu.memory_space<vmem>>) target_semaphore(%arg11 : memref<!tpu.dma_semaphore, #tpu.memory_space<semaphore_mem>>)
        %dma_start3A_72 = tpu.memref_slice %arg3[%mul3A_67] : memref<6400000xf32, #tpu.memory_space<hbm>> -> memref<2048xf32, #tpu.memory_space<hbm>>
        %dma_start3A_73 = tpu.memref_slice %arg3[%mul3A_67] : memref<6400000xf32, #tpu.memory_space<hbm>> -> memref<2048xf32, #tpu.memory_space<hbm>>
        tpu.enqueue_dma source(%dma_start3A_73 : memref<2048xf32, #tpu.memory_space<hbm>>) target(%arg9 : memref<2048xf32, #tpu.memory_space<vmem>>) target_semaphore(%arg13 : memref<!tpu.dma_semaphore, #tpu.memory_space<semaphore_mem>>)
      } else {
      }
    }
    %scan3A_39 = arith.constant 49 : i32
    %run_scoped3A = arith.constant 0 : i32
    "tpu.region"() ({
      %run_scoped3A_40 = tpu.sem_alloc : memref<!tpu.dma_semaphore, #tpu.memory_space<semaphore_mem>>
      %dma_start3A_41 = arith.constant 0 : i32
      %dma_start3A_42 = tpu.memref_slice %arg4[%add3A, %run_scoped3A, %dma_start3A_41] : memref<32x1x100096xf32, #tpu.memory_space<hbm>> -> memref<1x1x100096xf32, #tpu.memory_space<hbm>>
      %dma_start3A_43 = tpu.memref_squeeze %dma_start3A_42 : memref<1x1x100096xf32, #tpu.memory_space<hbm>> -> memref<100096xf32, #tpu.memory_space<hbm>>
      %dma_start3A_44 = arith.constant 0 : i32
      %dma_start3A_45 = tpu.memref_slice %arg4[%add3A, %run_scoped3A, %dma_start3A_44] : memref<32x1x100096xf32, #tpu.memory_space<hbm>> -> memref<1x1x100096xf32, #tpu.memory_space<hbm>>
      %dma_start3A_46 = tpu.memref_squeeze %dma_start3A_45 : memref<1x1x100096xf32, #tpu.memory_space<hbm>> -> memref<100096xf32, #tpu.memory_space<hbm>>
      tpu.enqueue_dma source(%arg5 : memref<100096xf32, #tpu.memory_space<vmem>>) target(%dma_start3A_46 : memref<100096xf32, #tpu.memory_space<hbm>>) target_semaphore(%run_scoped3A_40 : memref<!tpu.dma_semaphore, #tpu.memory_space<semaphore_mem>>)
      %dma_wait3A = arith.constant 0 : i32
      %dma_wait3A_47 = tpu.memref_slice %arg4[%add3A, %run_scoped3A, %dma_wait3A] : memref<32x1x100096xf32, #tpu.memory_space<hbm>> -> memref<1x1x100096xf32, #tpu.memory_space<hbm>>
      %dma_wait3A_48 = tpu.memref_squeeze %dma_wait3A_47 : memref<1x1x100096xf32, #tpu.memory_space<hbm>> -> memref<100096xf32, #tpu.memory_space<hbm>>
      %dma_wait3A_49 = arith.constant 0 : i32
      %dma_wait3A_50 = tpu.memref_slice %arg4[%add3A, %run_scoped3A, %dma_wait3A_49] : memref<32x1x100096xf32, #tpu.memory_space<hbm>> -> memref<1x1x100096xf32, #tpu.memory_space<hbm>>
      %dma_wait3A_51 = tpu.memref_squeeze %dma_wait3A_50 : memref<1x1x100096xf32, #tpu.memory_space<hbm>> -> memref<100096xf32, #tpu.memory_space<hbm>>
      tpu.wait_dma2 semaphore(%run_scoped3A_40 : memref<!tpu.dma_semaphore, #tpu.memory_space<semaphore_mem>>) src(%arg5 : memref<100096xf32, #tpu.memory_space<vmem>>) dst(%dma_wait3A_51 : memref<100096xf32, #tpu.memory_space<hbm>>)
      tpu.yield
    }) : () -> ()
    return
  }
}

#map = affine_map<(d0, d1) -> (0, 0)>
#map1 = affine_map<(d0, d1) -> (0)>
module attributes {stable_mosaic.version = 14 : i64} {
  func.func @gather_k(%arg0: i32, %arg1: i32, %arg2: memref<2x6400000xi32, #tpu.memory_space<hbm>>, %arg3: memref<6400000xf32, #tpu.memory_space<hbm>>, %arg4: memref<100096xf32, #tpu.memory_space<hbm>>, %arg5: memref<6400000xf32, #tpu.memory_space<hbm>>, %arg6: memref<100096xf32, #tpu.memory_space<vmem>>, %arg7: memref<2048xi32, #tpu.memory_space<vmem>>, %arg8: memref<2048xi32, #tpu.memory_space<vmem>>, %arg9: memref<2048xf32, #tpu.memory_space<vmem>>, %arg10: memref<2048xf32, #tpu.memory_space<vmem>>, %arg11: memref<2048xf32, #tpu.memory_space<vmem>>, %arg12: memref<2048xf32, #tpu.memory_space<vmem>>, %arg13: memref<!tpu.dma_semaphore, #tpu.memory_space<semaphore_mem>>, %arg14: memref<!tpu.dma_semaphore, #tpu.memory_space<semaphore_mem>>, %arg15: memref<!tpu.dma_semaphore, #tpu.memory_space<semaphore_mem>>, %arg16: memref<!tpu.dma_semaphore, #tpu.memory_space<semaphore_mem>>, %arg17: memref<!tpu.dma_semaphore, #tpu.memory_space<semaphore_mem>>, %arg18: memref<!tpu.dma_semaphore, #tpu.memory_space<semaphore_mem>>, %arg19: memref<!tpu.dma_semaphore, #tpu.memory_space<semaphore_mem>>) attributes {dimension_semantics = [#tpu.dimension_semantics<core_parallel>, #tpu.dimension_semantics<subcore_parallel>], iteration_bounds = array<i64: 2, 16>, scalar_prefetch = 0 : i64, scratch_operands = 14 : i64, tpu.core_type = #tpu.core_type<sc_vector_subcore>, window_params = [{transform_indices = #map}, {transform_indices = #map1}, {transform_indices = #map1}, {transform_indices = #map1}]} {
    %mul3A = arith.constant 2 : i32
    %mul3A_0 = arith.muli %arg1, %mul3A : i32
    %add3A = arith.addi %mul3A_0, %arg0 : i32
    %mul3A_1 = arith.constant 97 : i32
    %mul3A_2 = arith.muli %add3A, %mul3A_1 : i32
    %min3A = arith.constant 21 : i32
    %min3A_3 = arith.minsi %add3A, %min3A : i32
    %add3A_4 = arith.addi %mul3A_2, %min3A_3 : i32
    %lt3A = arith.constant 21 : i32
    %lt3A_5 = arith.cmpi slt, %add3A, %lt3A : i32
    %jit3A = arith.constant 1 : i32
    %jit3A_6 = arith.constant 0 : i32
    %select_n3A = arith.select %lt3A_5, %jit3A, %jit3A_6 : i32
    %add3A_7 = arith.constant 97 : i32
    %add3A_8 = arith.addi %add3A_7, %select_n3A : i32
    tpu.enqueue_dma source(%arg4 : memref<100096xf32, #tpu.memory_space<hbm>>) target(%arg6 : memref<100096xf32, #tpu.memory_space<vmem>>) target_semaphore(%arg13 : memref<!tpu.dma_semaphore, #tpu.memory_space<semaphore_mem>>)
    %add3A_9 = arith.constant 0 : i32
    %add3A_10 = arith.addi %add3A_4, %add3A_9 : i32
    %mul3A_11 = arith.constant 2048 : i32
    %mul3A_12 = arith.muli %add3A_10, %mul3A_11 : i32
    %dma_start3A = arith.constant 0 : i32
    %dma_start3A_13 = tpu.memref_slice %arg2[%dma_start3A, %mul3A_12] : memref<2x6400000xi32, #tpu.memory_space<hbm>> -> memref<1x2048xi32, #tpu.memory_space<hbm>>
    %dma_start3A_14 = tpu.memref_squeeze %dma_start3A_13 : memref<1x2048xi32, #tpu.memory_space<hbm>> -> memref<2048xi32, #tpu.memory_space<hbm>>
    %dma_start3A_15 = tpu.memref_slice %arg2[%dma_start3A, %mul3A_12] : memref<2x6400000xi32, #tpu.memory_space<hbm>> -> memref<1x2048xi32, #tpu.memory_space<hbm>>
    %dma_start3A_16 = tpu.memref_squeeze %dma_start3A_15 : memref<1x2048xi32, #tpu.memory_space<hbm>> -> memref<2048xi32, #tpu.memory_space<hbm>>
    tpu.enqueue_dma source(%dma_start3A_16 : memref<2048xi32, #tpu.memory_space<hbm>>) target(%arg7 : memref<2048xi32, #tpu.memory_space<vmem>>) target_semaphore(%arg14 : memref<!tpu.dma_semaphore, #tpu.memory_space<semaphore_mem>>)
    %dma_start3A_17 = tpu.memref_slice %arg3[%mul3A_12] : memref<6400000xf32, #tpu.memory_space<hbm>> -> memref<2048xf32, #tpu.memory_space<hbm>>
    %dma_start3A_18 = tpu.memref_slice %arg3[%mul3A_12] : memref<6400000xf32, #tpu.memory_space<hbm>> -> memref<2048xf32, #tpu.memory_space<hbm>>
    tpu.enqueue_dma source(%dma_start3A_18 : memref<2048xf32, #tpu.memory_space<hbm>>) target(%arg9 : memref<2048xf32, #tpu.memory_space<vmem>>) target_semaphore(%arg16 : memref<!tpu.dma_semaphore, #tpu.memory_space<semaphore_mem>>)
    %add3A_19 = arith.constant 1 : i32
    %add3A_20 = arith.addi %add3A_4, %add3A_19 : i32
    %mul3A_21 = arith.constant 2048 : i32
    %mul3A_22 = arith.muli %add3A_20, %mul3A_21 : i32
    %dma_start3A_23 = arith.constant 0 : i32
    %dma_start3A_24 = tpu.memref_slice %arg2[%dma_start3A_23, %mul3A_22] : memref<2x6400000xi32, #tpu.memory_space<hbm>> -> memref<1x2048xi32, #tpu.memory_space<hbm>>
    %dma_start3A_25 = tpu.memref_squeeze %dma_start3A_24 : memref<1x2048xi32, #tpu.memory_space<hbm>> -> memref<2048xi32, #tpu.memory_space<hbm>>
    %dma_start3A_26 = tpu.memref_slice %arg2[%dma_start3A_23, %mul3A_22] : memref<2x6400000xi32, #tpu.memory_space<hbm>> -> memref<1x2048xi32, #tpu.memory_space<hbm>>
    %dma_start3A_27 = tpu.memref_squeeze %dma_start3A_26 : memref<1x2048xi32, #tpu.memory_space<hbm>> -> memref<2048xi32, #tpu.memory_space<hbm>>
    tpu.enqueue_dma source(%dma_start3A_27 : memref<2048xi32, #tpu.memory_space<hbm>>) target(%arg8 : memref<2048xi32, #tpu.memory_space<vmem>>) target_semaphore(%arg15 : memref<!tpu.dma_semaphore, #tpu.memory_space<semaphore_mem>>)
    %dma_start3A_28 = tpu.memref_slice %arg3[%mul3A_22] : memref<6400000xf32, #tpu.memory_space<hbm>> -> memref<2048xf32, #tpu.memory_space<hbm>>
    %dma_start3A_29 = tpu.memref_slice %arg3[%mul3A_22] : memref<6400000xf32, #tpu.memory_space<hbm>> -> memref<2048xf32, #tpu.memory_space<hbm>>
    tpu.enqueue_dma source(%dma_start3A_29 : memref<2048xf32, #tpu.memory_space<hbm>>) target(%arg10 : memref<2048xf32, #tpu.memory_space<vmem>>) target_semaphore(%arg17 : memref<!tpu.dma_semaphore, #tpu.memory_space<semaphore_mem>>)
    tpu.wait_dma2 semaphore(%arg13 : memref<!tpu.dma_semaphore, #tpu.memory_space<semaphore_mem>>) src(%arg4 : memref<100096xf32, #tpu.memory_space<hbm>>) dst(%arg6 : memref<100096xf32, #tpu.memory_space<vmem>>)
    %scan3A = arith.constant 0 : i32
    %scan3A_30 = arith.constant 0 : i32
    %scan3A_31 = arith.constant 49 : i32
    %scan3A_32 = arith.addi %scan3A_30, %scan3A_31 : i32
    %scan3A_33 = arith.constant 1 : i32
    scf.for %scan3A_40 = %scan3A_30 to %scan3A_32 step %scan3A_33  : i32 {
      %mul3A_41 = arith.constant 2 : i32
      %mul3A_42 = arith.muli %scan3A_40, %mul3A_41 : i32
      %add3A_43 = arith.constant 1 : i32
      %add3A_44 = arith.addi %mul3A_42, %add3A_43 : i32
      %lt3A_45 = arith.cmpi slt, %mul3A_42, %add3A_8 : i32
      %convert_element_type3A_46 = arith.extui %lt3A_45 : i1 to i32
      %cond3A_47 = arith.constant 0 : i32
      %cond3A_48 = arith.cmpi ne, %convert_element_type3A_46, %cond3A_47 : i32
      scf.if %cond3A_48 {
        %dma_wait3A_65 = arith.constant 0 : i32
        %dma_wait3A_66 = arith.constant 0 : i32
        %dma_wait3A_67 = tpu.memref_slice %arg2[%dma_wait3A_65, %dma_wait3A_66] : memref<2x6400000xi32, #tpu.memory_space<hbm>> -> memref<1x2048xi32, #tpu.memory_space<hbm>>
        %dma_wait3A_68 = tpu.memref_squeeze %dma_wait3A_67 : memref<1x2048xi32, #tpu.memory_space<hbm>> -> memref<2048xi32, #tpu.memory_space<hbm>>
        %dma_wait3A_69 = arith.constant 0 : i32
        %dma_wait3A_70 = tpu.memref_slice %arg2[%dma_wait3A_65, %dma_wait3A_69] : memref<2x6400000xi32, #tpu.memory_space<hbm>> -> memref<1x2048xi32, #tpu.memory_space<hbm>>
        %dma_wait3A_71 = tpu.memref_squeeze %dma_wait3A_70 : memref<1x2048xi32, #tpu.memory_space<hbm>> -> memref<2048xi32, #tpu.memory_space<hbm>>
        tpu.wait_dma2 semaphore(%arg14 : memref<!tpu.dma_semaphore, #tpu.memory_space<semaphore_mem>>) src(%dma_wait3A_71 : memref<2048xi32, #tpu.memory_space<hbm>>) dst(%arg7 : memref<2048xi32, #tpu.memory_space<vmem>>)
        %dma_wait3A_72 = arith.constant 0 : i32
        %dma_wait3A_73 = tpu.memref_slice %arg3[%dma_wait3A_72] : memref<6400000xf32, #tpu.memory_space<hbm>> -> memref<2048xf32, #tpu.memory_space<hbm>>
        %dma_wait3A_74 = arith.constant 0 : i32
        %dma_wait3A_75 = tpu.memref_slice %arg3[%dma_wait3A_74] : memref<6400000xf32, #tpu.memory_space<hbm>> -> memref<2048xf32, #tpu.memory_space<hbm>>
        tpu.wait_dma2 semaphore(%arg16 : memref<!tpu.dma_semaphore, #tpu.memory_space<semaphore_mem>>) src(%dma_wait3A_75 : memref<2048xf32, #tpu.memory_space<hbm>>) dst(%arg9 : memref<2048xf32, #tpu.memory_space<vmem>>)
        %gt3A_76 = arith.constant 0 : i32
        %gt3A_77 = arith.cmpi sgt, %scan3A_40, %gt3A_76 : i32
        %convert_element_type3A_78 = arith.extui %gt3A_77 : i1 to i32
        %cond3A_79 = arith.constant 0 : i32
        %cond3A_80 = arith.cmpi ne, %convert_element_type3A_78, %cond3A_79 : i32
        scf.if %cond3A_80 {
          %dma_wait3A_92 = arith.constant 0 : i32
          %dma_wait3A_93 = tpu.memref_slice %arg5[%dma_wait3A_92] : memref<6400000xf32, #tpu.memory_space<hbm>> -> memref<2048xf32, #tpu.memory_space<hbm>>
          %dma_wait3A_94 = arith.constant 0 : i32
          %dma_wait3A_95 = tpu.memref_slice %arg5[%dma_wait3A_94] : memref<6400000xf32, #tpu.memory_space<hbm>> -> memref<2048xf32, #tpu.memory_space<hbm>>
          tpu.wait_dma2 semaphore(%arg18 : memref<!tpu.dma_semaphore, #tpu.memory_space<semaphore_mem>>) src(%arg11 : memref<2048xf32, #tpu.memory_space<vmem>>) dst(%dma_wait3A_95 : memref<2048xf32, #tpu.memory_space<hbm>>)
        } else {
        }
        %scan3A_81 = arith.constant 0 : i32
        %scan3A_82 = arith.constant 0 : i32
        %scan3A_83 = arith.constant 128 : i32
        %scan3A_84 = arith.addi %scan3A_82, %scan3A_83 : i32
        %scan3A_85 = arith.constant 8 : i32
        scf.for %scan3A_92 = %scan3A_82 to %scan3A_84 step %scan3A_85  : i32 {
          %mul3A_93 = arith.constant 16 : i32
          %mul3A_94 = arith.muli %scan3A_92, %mul3A_93 : i32
          %get3A = arith.index_cast %mul3A_94 : i32 to index
          %get3A_95 = tpu.vector_load %arg7[%get3A] {strides = array<i32>} : memref<2048xi32, #tpu.memory_space<vmem>>, vector<16xi32>,
          %mul3A_96 = arith.constant 16 : i32
          %mul3A_97 = arith.muli %scan3A_92, %mul3A_96 : i32
          %get3A_98 = arith.index_cast %mul3A_97 : i32 to index
          %get3A_99 = tpu.vector_load %arg9[%get3A_98] {strides = array<i32>} : memref<2048xf32, #tpu.memory_space<vmem>>, vector<16xf32>,
          %gather3A = tpu.vector_load_idx %arg6[%get3A_95] : memref<100096xf32, #tpu.memory_space<vmem>>[vector<16xi32>], vector<16xf32>,
          %mul3A_100 = arith.mulf %gather3A, %get3A_99 : vector<16xf32>
          %mul3A_101 = arith.constant 16 : i32
          %mul3A_102 = arith.muli %scan3A_92, %mul3A_101 : i32
          %swap3A = arith.index_cast %mul3A_102 : i32 to index
          %swap3A_103 = tpu.vector_load %arg11[%swap3A] {strides = array<i32>} : memref<2048xf32, #tpu.memory_space<vmem>>, vector<16xf32>,
          tpu.vector_store %arg11[%swap3A], %mul3A_100 {strides = array<i32>} : memref<2048xf32, #tpu.memory_space<vmem>>, vector<16xf32>,
          %scan3A_104 = arith.constant 1 : i32
          %scan3A_105 = arith.addi %scan3A_92, %scan3A_104 : i32
          %mul3A_106 = arith.constant 16 : i32
          %mul3A_107 = arith.muli %scan3A_105, %mul3A_106 : i32
          %get3A_108 = arith.index_cast %mul3A_107 : i32 to index
          %get3A_109 = tpu.vector_load %arg7[%get3A_108] {strides = array<i32>} : memref<2048xi32, #tpu.memory_space<vmem>>, vector<16xi32>,
          %mul3A_110 = arith.constant 16 : i32
          %mul3A_111 = arith.muli %scan3A_105, %mul3A_110 : i32
          %get3A_112 = arith.index_cast %mul3A_111 : i32 to index
          %get3A_113 = tpu.vector_load %arg9[%get3A_112] {strides = array<i32>} : memref<2048xf32, #tpu.memory_space<vmem>>, vector<16xf32>,
          %gather3A_114 = tpu.vector_load_idx %arg6[%get3A_109] : memref<100096xf32, #tpu.memory_space<vmem>>[vector<16xi32>], vector<16xf32>,
          %mul3A_115 = arith.mulf %gather3A_114, %get3A_113 : vector<16xf32>
          %mul3A_116 = arith.constant 16 : i32
          %mul3A_117 = arith.muli %scan3A_105, %mul3A_116 : i32
          %swap3A_118 = arith.index_cast %mul3A_117 : i32 to index
          %swap3A_119 = tpu.vector_load %arg11[%swap3A_118] {strides = array<i32>} : memref<2048xf32, #tpu.memory_space<vmem>>, vector<16xf32>,
          tpu.vector_store %arg11[%swap3A_118], %mul3A_115 {strides = array<i32>} : memref<2048xf32, #tpu.memory_space<vmem>>, vector<16xf32>,
          %scan3A_120 = arith.constant 2 : i32
          %scan3A_121 = arith.addi %scan3A_92, %scan3A_120 : i32
          %mul3A_122 = arith.constant 16 : i32
          %mul3A_123 = arith.muli %scan3A_121, %mul3A_122 : i32
          %get3A_124 = arith.index_cast %mul3A_123 : i32 to index
          %get3A_125 = tpu.vector_load %arg7[%get3A_124] {strides = array<i32>} : memref<2048xi32, #tpu.memory_space<vmem>>, vector<16xi32>,
          %mul3A_126 = arith.constant 16 : i32
          %mul3A_127 = arith.muli %scan3A_121, %mul3A_126 : i32
          %get3A_128 = arith.index_cast %mul3A_127 : i32 to index
          %get3A_129 = tpu.vector_load %arg9[%get3A_128] {strides = array<i32>} : memref<2048xf32, #tpu.memory_space<vmem>>, vector<16xf32>,
          %gather3A_130 = tpu.vector_load_idx %arg6[%get3A_125] : memref<100096xf32, #tpu.memory_space<vmem>>[vector<16xi32>], vector<16xf32>,
          %mul3A_131 = arith.mulf %gather3A_130, %get3A_129 : vector<16xf32>
          %mul3A_132 = arith.constant 16 : i32
          %mul3A_133 = arith.muli %scan3A_121, %mul3A_132 : i32
          %swap3A_134 = arith.index_cast %mul3A_133 : i32 to index
          %swap3A_135 = tpu.vector_load %arg11[%swap3A_134] {strides = array<i32>} : memref<2048xf32, #tpu.memory_space<vmem>>, vector<16xf32>,
          tpu.vector_store %arg11[%swap3A_134], %mul3A_131 {strides = array<i32>} : memref<2048xf32, #tpu.memory_space<vmem>>, vector<16xf32>,
          %scan3A_136 = arith.constant 3 : i32
          %scan3A_137 = arith.addi %scan3A_92, %scan3A_136 : i32
          %mul3A_138 = arith.constant 16 : i32
          %mul3A_139 = arith.muli %scan3A_137, %mul3A_138 : i32
          %get3A_140 = arith.index_cast %mul3A_139 : i32 to index
          %get3A_141 = tpu.vector_load %arg7[%get3A_140] {strides = array<i32>} : memref<2048xi32, #tpu.memory_space<vmem>>, vector<16xi32>,
          %mul3A_142 = arith.constant 16 : i32
          %mul3A_143 = arith.muli %scan3A_137, %mul3A_142 : i32
          %get3A_144 = arith.index_cast %mul3A_143 : i32 to index
          %get3A_145 = tpu.vector_load %arg9[%get3A_144] {strides = array<i32>} : memref<2048xf32, #tpu.memory_space<vmem>>, vector<16xf32>,
          %gather3A_146 = tpu.vector_load_idx %arg6[%get3A_141] : memref<100096xf32, #tpu.memory_space<vmem>>[vector<16xi32>], vector<16xf32>,
          %mul3A_147 = arith.mulf %gather3A_146, %get3A_145 : vector<16xf32>
          %mul3A_148 = arith.constant 16 : i32
          %mul3A_149 = arith.muli %scan3A_137, %mul3A_148 : i32
          %swap3A_150 = arith.index_cast %mul3A_149 : i32 to index
          %swap3A_151 = tpu.vector_load %arg11[%swap3A_150] {strides = array<i32>} : memref<2048xf32, #tpu.memory_space<vmem>>, vector<16xf32>,
          tpu.vector_store %arg11[%swap3A_150], %mul3A_147 {strides = array<i32>} : memref<2048xf32, #tpu.memory_space<vmem>>, vector<16xf32>,
          %scan3A_152 = arith.constant 4 : i32
          %scan3A_153 = arith.addi %scan3A_92, %scan3A_152 : i32
          %mul3A_154 = arith.constant 16 : i32
          %mul3A_155 = arith.muli %scan3A_153, %mul3A_154 : i32
          %get3A_156 = arith.index_cast %mul3A_155 : i32 to index
          %get3A_157 = tpu.vector_load %arg7[%get3A_156] {strides = array<i32>} : memref<2048xi32, #tpu.memory_space<vmem>>, vector<16xi32>,
          %mul3A_158 = arith.constant 16 : i32
          %mul3A_159 = arith.muli %scan3A_153, %mul3A_158 : i32
          %get3A_160 = arith.index_cast %mul3A_159 : i32 to index
          %get3A_161 = tpu.vector_load %arg9[%get3A_160] {strides = array<i32>} : memref<2048xf32, #tpu.memory_space<vmem>>, vector<16xf32>,
          %gather3A_162 = tpu.vector_load_idx %arg6[%get3A_157] : memref<100096xf32, #tpu.memory_space<vmem>>[vector<16xi32>], vector<16xf32>,
          %mul3A_163 = arith.mulf %gather3A_162, %get3A_161 : vector<16xf32>
          %mul3A_164 = arith.constant 16 : i32
          %mul3A_165 = arith.muli %scan3A_153, %mul3A_164 : i32
          %swap3A_166 = arith.index_cast %mul3A_165 : i32 to index
          %swap3A_167 = tpu.vector_load %arg11[%swap3A_166] {strides = array<i32>} : memref<2048xf32, #tpu.memory_space<vmem>>, vector<16xf32>,
          tpu.vector_store %arg11[%swap3A_166], %mul3A_163 {strides = array<i32>} : memref<2048xf32, #tpu.memory_space<vmem>>, vector<16xf32>,
          %scan3A_168 = arith.constant 5 : i32
          %scan3A_169 = arith.addi %scan3A_92, %scan3A_168 : i32
          %mul3A_170 = arith.constant 16 : i32
          %mul3A_171 = arith.muli %scan3A_169, %mul3A_170 : i32
          %get3A_172 = arith.index_cast %mul3A_171 : i32 to index
          %get3A_173 = tpu.vector_load %arg7[%get3A_172] {strides = array<i32>} : memref<2048xi32, #tpu.memory_space<vmem>>, vector<16xi32>,
          %mul3A_174 = arith.constant 16 : i32
          %mul3A_175 = arith.muli %scan3A_169, %mul3A_174 : i32
          %get3A_176 = arith.index_cast %mul3A_175 : i32 to index
          %get3A_177 = tpu.vector_load %arg9[%get3A_176] {strides = array<i32>} : memref<2048xf32, #tpu.memory_space<vmem>>, vector<16xf32>,
          %gather3A_178 = tpu.vector_load_idx %arg6[%get3A_173] : memref<100096xf32, #tpu.memory_space<vmem>>[vector<16xi32>], vector<16xf32>,
          %mul3A_179 = arith.mulf %gather3A_178, %get3A_177 : vector<16xf32>
          %mul3A_180 = arith.constant 16 : i32
          %mul3A_181 = arith.muli %scan3A_169, %mul3A_180 : i32
          %swap3A_182 = arith.index_cast %mul3A_181 : i32 to index
          %swap3A_183 = tpu.vector_load %arg11[%swap3A_182] {strides = array<i32>} : memref<2048xf32, #tpu.memory_space<vmem>>, vector<16xf32>,
          tpu.vector_store %arg11[%swap3A_182], %mul3A_179 {strides = array<i32>} : memref<2048xf32, #tpu.memory_space<vmem>>, vector<16xf32>,
          %scan3A_184 = arith.constant 6 : i32
          %scan3A_185 = arith.addi %scan3A_92, %scan3A_184 : i32
          %mul3A_186 = arith.constant 16 : i32
          %mul3A_187 = arith.muli %scan3A_185, %mul3A_186 : i32
          %get3A_188 = arith.index_cast %mul3A_187 : i32 to index
          %get3A_189 = tpu.vector_load %arg7[%get3A_188] {strides = array<i32>} : memref<2048xi32, #tpu.memory_space<vmem>>, vector<16xi32>,
          %mul3A_190 = arith.constant 16 : i32
          %mul3A_191 = arith.muli %scan3A_185, %mul3A_190 : i32
          %get3A_192 = arith.index_cast %mul3A_191 : i32 to index
          %get3A_193 = tpu.vector_load %arg9[%get3A_192] {strides = array<i32>} : memref<2048xf32, #tpu.memory_space<vmem>>, vector<16xf32>,
          %gather3A_194 = tpu.vector_load_idx %arg6[%get3A_189] : memref<100096xf32, #tpu.memory_space<vmem>>[vector<16xi32>], vector<16xf32>,
          %mul3A_195 = arith.mulf %gather3A_194, %get3A_193 : vector<16xf32>
          %mul3A_196 = arith.constant 16 : i32
          %mul3A_197 = arith.muli %scan3A_185, %mul3A_196 : i32
          %swap3A_198 = arith.index_cast %mul3A_197 : i32 to index
          %swap3A_199 = tpu.vector_load %arg11[%swap3A_198] {strides = array<i32>} : memref<2048xf32, #tpu.memory_space<vmem>>, vector<16xf32>,
          tpu.vector_store %arg11[%swap3A_198], %mul3A_195 {strides = array<i32>} : memref<2048xf32, #tpu.memory_space<vmem>>, vector<16xf32>,
          %scan3A_200 = arith.constant 7 : i32
          %scan3A_201 = arith.addi %scan3A_92, %scan3A_200 : i32
          %mul3A_202 = arith.constant 16 : i32
          %mul3A_203 = arith.muli %scan3A_201, %mul3A_202 : i32
          %get3A_204 = arith.index_cast %mul3A_203 : i32 to index
          %get3A_205 = tpu.vector_load %arg7[%get3A_204] {strides = array<i32>} : memref<2048xi32, #tpu.memory_space<vmem>>, vector<16xi32>,
          %mul3A_206 = arith.constant 16 : i32
          %mul3A_207 = arith.muli %scan3A_201, %mul3A_206 : i32
          %get3A_208 = arith.index_cast %mul3A_207 : i32 to index
          %get3A_209 = tpu.vector_load %arg9[%get3A_208] {strides = array<i32>} : memref<2048xf32, #tpu.memory_space<vmem>>, vector<16xf32>,
          %gather3A_210 = tpu.vector_load_idx %arg6[%get3A_205] : memref<100096xf32, #tpu.memory_space<vmem>>[vector<16xi32>], vector<16xf32>,
          %mul3A_211 = arith.mulf %gather3A_210, %get3A_209 : vector<16xf32>
          %mul3A_212 = arith.constant 16 : i32
          %mul3A_213 = arith.muli %scan3A_201, %mul3A_212 : i32
          %swap3A_214 = arith.index_cast %mul3A_213 : i32 to index
          %swap3A_215 = tpu.vector_load %arg11[%swap3A_214] {strides = array<i32>} : memref<2048xf32, #tpu.memory_space<vmem>>, vector<16xf32>,
          tpu.vector_store %arg11[%swap3A_214], %mul3A_211 {strides = array<i32>} : memref<2048xf32, #tpu.memory_space<vmem>>, vector<16xf32>,
        }
        %scan3A_86 = arith.constant 128 : i32
        %add3A_87 = arith.addi %add3A_4, %mul3A_42 : i32
        %mul3A_88 = arith.constant 2048 : i32
        %mul3A_89 = arith.muli %add3A_87, %mul3A_88 : i32
        %dma_start3A_90 = tpu.memref_slice %arg5[%mul3A_89] : memref<6400000xf32, #tpu.memory_space<hbm>> -> memref<2048xf32, #tpu.memory_space<hbm>>
        %dma_start3A_91 = tpu.memref_slice %arg5[%mul3A_89] : memref<6400000xf32, #tpu.memory_space<hbm>> -> memref<2048xf32, #tpu.memory_space<hbm>>
        tpu.enqueue_dma source(%arg11 : memref<2048xf32, #tpu.memory_space<vmem>>) target(%dma_start3A_91 : memref<2048xf32, #tpu.memory_space<hbm>>) target_semaphore(%arg18 : memref<!tpu.dma_semaphore, #tpu.memory_space<semaphore_mem>>)
      } else {
      }
      %add3A_49 = arith.constant 2 : i32
      %add3A_50 = arith.addi %mul3A_42, %add3A_49 : i32
      %lt3A_51 = arith.cmpi slt, %add3A_50, %add3A_8 : i32
      %convert_element_type3A_52 = arith.extui %lt3A_51 : i1 to i32
      %cond3A_53 = arith.constant 0 : i32
      %cond3A_54 = arith.cmpi ne, %convert_element_type3A_52, %cond3A_53 : i32
      scf.if %cond3A_54 {
        %add3A_65 = arith.constant 2 : i32
        %add3A_66 = arith.addi %mul3A_42, %add3A_65 : i32
        %add3A_67 = arith.addi %add3A_4, %add3A_66 : i32
        %mul3A_68 = arith.constant 2048 : i32
        %mul3A_69 = arith.muli %add3A_67, %mul3A_68 : i32
        %dma_start3A_70 = arith.constant 0 : i32
        %dma_start3A_71 = tpu.memref_slice %arg2[%dma_start3A_70, %mul3A_69] : memref<2x6400000xi32, #tpu.memory_space<hbm>> -> memref<1x2048xi32, #tpu.memory_space<hbm>>
        %dma_start3A_72 = tpu.memref_squeeze %dma_start3A_71 : memref<1x2048xi32, #tpu.memory_space<hbm>> -> memref<2048xi32, #tpu.memory_space<hbm>>
        %dma_start3A_73 = tpu.memref_slice %arg2[%dma_start3A_70, %mul3A_69] : memref<2x6400000xi32, #tpu.memory_space<hbm>> -> memref<1x2048xi32, #tpu.memory_space<hbm>>
        %dma_start3A_74 = tpu.memref_squeeze %dma_start3A_73 : memref<1x2048xi32, #tpu.memory_space<hbm>> -> memref<2048xi32, #tpu.memory_space<hbm>>
        tpu.enqueue_dma source(%dma_start3A_74 : memref<2048xi32, #tpu.memory_space<hbm>>) target(%arg7 : memref<2048xi32, #tpu.memory_space<vmem>>) target_semaphore(%arg14 : memref<!tpu.dma_semaphore, #tpu.memory_space<semaphore_mem>>)
        %dma_start3A_75 = tpu.memref_slice %arg3[%mul3A_69] : memref<6400000xf32, #tpu.memory_space<hbm>> -> memref<2048xf32, #tpu.memory_space<hbm>>
        %dma_start3A_76 = tpu.memref_slice %arg3[%mul3A_69] : memref<6400000xf32, #tpu.memory_space<hbm>> -> memref<2048xf32, #tpu.memory_space<hbm>>
        tpu.enqueue_dma source(%dma_start3A_76 : memref<2048xf32, #tpu.memory_space<hbm>>) target(%arg9 : memref<2048xf32, #tpu.memory_space<vmem>>) target_semaphore(%arg16 : memref<!tpu.dma_semaphore, #tpu.memory_space<semaphore_mem>>)
      } else {
      }
      %lt3A_55 = arith.cmpi slt, %add3A_44, %add3A_8 : i32
      %convert_element_type3A_56 = arith.extui %lt3A_55 : i1 to i32
      %cond3A_57 = arith.constant 0 : i32
      %cond3A_58 = arith.cmpi ne, %convert_element_type3A_56, %cond3A_57 : i32
      scf.if %cond3A_58 {
        %dma_wait3A_65 = arith.constant 0 : i32
        %dma_wait3A_66 = arith.constant 0 : i32
        %dma_wait3A_67 = tpu.memref_slice %arg2[%dma_wait3A_65, %dma_wait3A_66] : memref<2x6400000xi32, #tpu.memory_space<hbm>> -> memref<1x2048xi32, #tpu.memory_space<hbm>>
        %dma_wait3A_68 = tpu.memref_squeeze %dma_wait3A_67 : memref<1x2048xi32, #tpu.memory_space<hbm>> -> memref<2048xi32, #tpu.memory_space<hbm>>
        %dma_wait3A_69 = arith.constant 0 : i32
        %dma_wait3A_70 = tpu.memref_slice %arg2[%dma_wait3A_65, %dma_wait3A_69] : memref<2x6400000xi32, #tpu.memory_space<hbm>> -> memref<1x2048xi32, #tpu.memory_space<hbm>>
        %dma_wait3A_71 = tpu.memref_squeeze %dma_wait3A_70 : memref<1x2048xi32, #tpu.memory_space<hbm>> -> memref<2048xi32, #tpu.memory_space<hbm>>
        tpu.wait_dma2 semaphore(%arg15 : memref<!tpu.dma_semaphore, #tpu.memory_space<semaphore_mem>>) src(%dma_wait3A_71 : memref<2048xi32, #tpu.memory_space<hbm>>) dst(%arg8 : memref<2048xi32, #tpu.memory_space<vmem>>)
        %dma_wait3A_72 = arith.constant 0 : i32
        %dma_wait3A_73 = tpu.memref_slice %arg3[%dma_wait3A_72] : memref<6400000xf32, #tpu.memory_space<hbm>> -> memref<2048xf32, #tpu.memory_space<hbm>>
        %dma_wait3A_74 = arith.constant 0 : i32
        %dma_wait3A_75 = tpu.memref_slice %arg3[%dma_wait3A_74] : memref<6400000xf32, #tpu.memory_space<hbm>> -> memref<2048xf32, #tpu.memory_space<hbm>>
        tpu.wait_dma2 semaphore(%arg17 : memref<!tpu.dma_semaphore, #tpu.memory_space<semaphore_mem>>) src(%dma_wait3A_75 : memref<2048xf32, #tpu.memory_space<hbm>>) dst(%arg10 : memref<2048xf32, #tpu.memory_space<vmem>>)
        %gt3A_76 = arith.constant 0 : i32
        %gt3A_77 = arith.cmpi sgt, %scan3A_40, %gt3A_76 : i32
        %convert_element_type3A_78 = arith.extui %gt3A_77 : i1 to i32
        %cond3A_79 = arith.constant 0 : i32
        %cond3A_80 = arith.cmpi ne, %convert_element_type3A_78, %cond3A_79 : i32
        scf.if %cond3A_80 {
          %dma_wait3A_92 = arith.constant 0 : i32
          %dma_wait3A_93 = tpu.memref_slice %arg5[%dma_wait3A_92] : memref<6400000xf32, #tpu.memory_space<hbm>> -> memref<2048xf32, #tpu.memory_space<hbm>>
          %dma_wait3A_94 = arith.constant 0 : i32
          %dma_wait3A_95 = tpu.memref_slice %arg5[%dma_wait3A_94] : memref<6400000xf32, #tpu.memory_space<hbm>> -> memref<2048xf32, #tpu.memory_space<hbm>>
          tpu.wait_dma2 semaphore(%arg19 : memref<!tpu.dma_semaphore, #tpu.memory_space<semaphore_mem>>) src(%arg12 : memref<2048xf32, #tpu.memory_space<vmem>>) dst(%dma_wait3A_95 : memref<2048xf32, #tpu.memory_space<hbm>>)
        } else {
        }
        %scan3A_81 = arith.constant 0 : i32
        %scan3A_82 = arith.constant 0 : i32
        %scan3A_83 = arith.constant 128 : i32
        %scan3A_84 = arith.addi %scan3A_82, %scan3A_83 : i32
        %scan3A_85 = arith.constant 8 : i32
        scf.for %scan3A_92 = %scan3A_82 to %scan3A_84 step %scan3A_85  : i32 {
          %mul3A_93 = arith.constant 16 : i32
          %mul3A_94 = arith.muli %scan3A_92, %mul3A_93 : i32
          %get3A = arith.index_cast %mul3A_94 : i32 to index
          %get3A_95 = tpu.vector_load %arg8[%get3A] {strides = array<i32>} : memref<2048xi32, #tpu.memory_space<vmem>>, vector<16xi32>,
          %mul3A_96 = arith.constant 16 : i32
          %mul3A_97 = arith.muli %scan3A_92, %mul3A_96 : i32
          %get3A_98 = arith.index_cast %mul3A_97 : i32 to index
          %get3A_99 = tpu.vector_load %arg10[%get3A_98] {strides = array<i32>} : memref<2048xf32, #tpu.memory_space<vmem>>, vector<16xf32>,
          %gather3A = tpu.vector_load_idx %arg6[%get3A_95] : memref<100096xf32, #tpu.memory_space<vmem>>[vector<16xi32>], vector<16xf32>,
          %mul3A_100 = arith.mulf %gather3A, %get3A_99 : vector<16xf32>
          %mul3A_101 = arith.constant 16 : i32
          %mul3A_102 = arith.muli %scan3A_92, %mul3A_101 : i32
          %swap3A = arith.index_cast %mul3A_102 : i32 to index
          %swap3A_103 = tpu.vector_load %arg12[%swap3A] {strides = array<i32>} : memref<2048xf32, #tpu.memory_space<vmem>>, vector<16xf32>,
          tpu.vector_store %arg12[%swap3A], %mul3A_100 {strides = array<i32>} : memref<2048xf32, #tpu.memory_space<vmem>>, vector<16xf32>,
          %scan3A_104 = arith.constant 1 : i32
          %scan3A_105 = arith.addi %scan3A_92, %scan3A_104 : i32
          %mul3A_106 = arith.constant 16 : i32
          %mul3A_107 = arith.muli %scan3A_105, %mul3A_106 : i32
          %get3A_108 = arith.index_cast %mul3A_107 : i32 to index
          %get3A_109 = tpu.vector_load %arg8[%get3A_108] {strides = array<i32>} : memref<2048xi32, #tpu.memory_space<vmem>>, vector<16xi32>,
          %mul3A_110 = arith.constant 16 : i32
          %mul3A_111 = arith.muli %scan3A_105, %mul3A_110 : i32
          %get3A_112 = arith.index_cast %mul3A_111 : i32 to index
          %get3A_113 = tpu.vector_load %arg10[%get3A_112] {strides = array<i32>} : memref<2048xf32, #tpu.memory_space<vmem>>, vector<16xf32>,
          %gather3A_114 = tpu.vector_load_idx %arg6[%get3A_109] : memref<100096xf32, #tpu.memory_space<vmem>>[vector<16xi32>], vector<16xf32>,
          %mul3A_115 = arith.mulf %gather3A_114, %get3A_113 : vector<16xf32>
          %mul3A_116 = arith.constant 16 : i32
          %mul3A_117 = arith.muli %scan3A_105, %mul3A_116 : i32
          %swap3A_118 = arith.index_cast %mul3A_117 : i32 to index
          %swap3A_119 = tpu.vector_load %arg12[%swap3A_118] {strides = array<i32>} : memref<2048xf32, #tpu.memory_space<vmem>>, vector<16xf32>,
          tpu.vector_store %arg12[%swap3A_118], %mul3A_115 {strides = array<i32>} : memref<2048xf32, #tpu.memory_space<vmem>>, vector<16xf32>,
          %scan3A_120 = arith.constant 2 : i32
          %scan3A_121 = arith.addi %scan3A_92, %scan3A_120 : i32
          %mul3A_122 = arith.constant 16 : i32
          %mul3A_123 = arith.muli %scan3A_121, %mul3A_122 : i32
          %get3A_124 = arith.index_cast %mul3A_123 : i32 to index
          %get3A_125 = tpu.vector_load %arg8[%get3A_124] {strides = array<i32>} : memref<2048xi32, #tpu.memory_space<vmem>>, vector<16xi32>,
          %mul3A_126 = arith.constant 16 : i32
          %mul3A_127 = arith.muli %scan3A_121, %mul3A_126 : i32
          %get3A_128 = arith.index_cast %mul3A_127 : i32 to index
          %get3A_129 = tpu.vector_load %arg10[%get3A_128] {strides = array<i32>} : memref<2048xf32, #tpu.memory_space<vmem>>, vector<16xf32>,
          %gather3A_130 = tpu.vector_load_idx %arg6[%get3A_125] : memref<100096xf32, #tpu.memory_space<vmem>>[vector<16xi32>], vector<16xf32>,
          %mul3A_131 = arith.mulf %gather3A_130, %get3A_129 : vector<16xf32>
          %mul3A_132 = arith.constant 16 : i32
          %mul3A_133 = arith.muli %scan3A_121, %mul3A_132 : i32
          %swap3A_134 = arith.index_cast %mul3A_133 : i32 to index
          %swap3A_135 = tpu.vector_load %arg12[%swap3A_134] {strides = array<i32>} : memref<2048xf32, #tpu.memory_space<vmem>>, vector<16xf32>,
          tpu.vector_store %arg12[%swap3A_134], %mul3A_131 {strides = array<i32>} : memref<2048xf32, #tpu.memory_space<vmem>>, vector<16xf32>,
          %scan3A_136 = arith.constant 3 : i32
          %scan3A_137 = arith.addi %scan3A_92, %scan3A_136 : i32
          %mul3A_138 = arith.constant 16 : i32
          %mul3A_139 = arith.muli %scan3A_137, %mul3A_138 : i32
          %get3A_140 = arith.index_cast %mul3A_139 : i32 to index
          %get3A_141 = tpu.vector_load %arg8[%get3A_140] {strides = array<i32>} : memref<2048xi32, #tpu.memory_space<vmem>>, vector<16xi32>,
          %mul3A_142 = arith.constant 16 : i32
          %mul3A_143 = arith.muli %scan3A_137, %mul3A_142 : i32
          %get3A_144 = arith.index_cast %mul3A_143 : i32 to index
          %get3A_145 = tpu.vector_load %arg10[%get3A_144] {strides = array<i32>} : memref<2048xf32, #tpu.memory_space<vmem>>, vector<16xf32>,
          %gather3A_146 = tpu.vector_load_idx %arg6[%get3A_141] : memref<100096xf32, #tpu.memory_space<vmem>>[vector<16xi32>], vector<16xf32>,
          %mul3A_147 = arith.mulf %gather3A_146, %get3A_145 : vector<16xf32>
          %mul3A_148 = arith.constant 16 : i32
          %mul3A_149 = arith.muli %scan3A_137, %mul3A_148 : i32
          %swap3A_150 = arith.index_cast %mul3A_149 : i32 to index
          %swap3A_151 = tpu.vector_load %arg12[%swap3A_150] {strides = array<i32>} : memref<2048xf32, #tpu.memory_space<vmem>>, vector<16xf32>,
          tpu.vector_store %arg12[%swap3A_150], %mul3A_147 {strides = array<i32>} : memref<2048xf32, #tpu.memory_space<vmem>>, vector<16xf32>,
          %scan3A_152 = arith.constant 4 : i32
          %scan3A_153 = arith.addi %scan3A_92, %scan3A_152 : i32
          %mul3A_154 = arith.constant 16 : i32
          %mul3A_155 = arith.muli %scan3A_153, %mul3A_154 : i32
          %get3A_156 = arith.index_cast %mul3A_155 : i32 to index
          %get3A_157 = tpu.vector_load %arg8[%get3A_156] {strides = array<i32>} : memref<2048xi32, #tpu.memory_space<vmem>>, vector<16xi32>,
          %mul3A_158 = arith.constant 16 : i32
          %mul3A_159 = arith.muli %scan3A_153, %mul3A_158 : i32
          %get3A_160 = arith.index_cast %mul3A_159 : i32 to index
          %get3A_161 = tpu.vector_load %arg10[%get3A_160] {strides = array<i32>} : memref<2048xf32, #tpu.memory_space<vmem>>, vector<16xf32>,
          %gather3A_162 = tpu.vector_load_idx %arg6[%get3A_157] : memref<100096xf32, #tpu.memory_space<vmem>>[vector<16xi32>], vector<16xf32>,
          %mul3A_163 = arith.mulf %gather3A_162, %get3A_161 : vector<16xf32>
          %mul3A_164 = arith.constant 16 : i32
          %mul3A_165 = arith.muli %scan3A_153, %mul3A_164 : i32
          %swap3A_166 = arith.index_cast %mul3A_165 : i32 to index
          %swap3A_167 = tpu.vector_load %arg12[%swap3A_166] {strides = array<i32>} : memref<2048xf32, #tpu.memory_space<vmem>>, vector<16xf32>,
          tpu.vector_store %arg12[%swap3A_166], %mul3A_163 {strides = array<i32>} : memref<2048xf32, #tpu.memory_space<vmem>>, vector<16xf32>,
          %scan3A_168 = arith.constant 5 : i32
          %scan3A_169 = arith.addi %scan3A_92, %scan3A_168 : i32
          %mul3A_170 = arith.constant 16 : i32
          %mul3A_171 = arith.muli %scan3A_169, %mul3A_170 : i32
          %get3A_172 = arith.index_cast %mul3A_171 : i32 to index
          %get3A_173 = tpu.vector_load %arg8[%get3A_172] {strides = array<i32>} : memref<2048xi32, #tpu.memory_space<vmem>>, vector<16xi32>,
          %mul3A_174 = arith.constant 16 : i32
          %mul3A_175 = arith.muli %scan3A_169, %mul3A_174 : i32
          %get3A_176 = arith.index_cast %mul3A_175 : i32 to index
          %get3A_177 = tpu.vector_load %arg10[%get3A_176] {strides = array<i32>} : memref<2048xf32, #tpu.memory_space<vmem>>, vector<16xf32>,
          %gather3A_178 = tpu.vector_load_idx %arg6[%get3A_173] : memref<100096xf32, #tpu.memory_space<vmem>>[vector<16xi32>], vector<16xf32>,
          %mul3A_179 = arith.mulf %gather3A_178, %get3A_177 : vector<16xf32>
          %mul3A_180 = arith.constant 16 : i32
          %mul3A_181 = arith.muli %scan3A_169, %mul3A_180 : i32
          %swap3A_182 = arith.index_cast %mul3A_181 : i32 to index
          %swap3A_183 = tpu.vector_load %arg12[%swap3A_182] {strides = array<i32>} : memref<2048xf32, #tpu.memory_space<vmem>>, vector<16xf32>,
          tpu.vector_store %arg12[%swap3A_182], %mul3A_179 {strides = array<i32>} : memref<2048xf32, #tpu.memory_space<vmem>>, vector<16xf32>,
          %scan3A_184 = arith.constant 6 : i32
          %scan3A_185 = arith.addi %scan3A_92, %scan3A_184 : i32
          %mul3A_186 = arith.constant 16 : i32
          %mul3A_187 = arith.muli %scan3A_185, %mul3A_186 : i32
          %get3A_188 = arith.index_cast %mul3A_187 : i32 to index
          %get3A_189 = tpu.vector_load %arg8[%get3A_188] {strides = array<i32>} : memref<2048xi32, #tpu.memory_space<vmem>>, vector<16xi32>,
          %mul3A_190 = arith.constant 16 : i32
          %mul3A_191 = arith.muli %scan3A_185, %mul3A_190 : i32
          %get3A_192 = arith.index_cast %mul3A_191 : i32 to index
          %get3A_193 = tpu.vector_load %arg10[%get3A_192] {strides = array<i32>} : memref<2048xf32, #tpu.memory_space<vmem>>, vector<16xf32>,
          %gather3A_194 = tpu.vector_load_idx %arg6[%get3A_189] : memref<100096xf32, #tpu.memory_space<vmem>>[vector<16xi32>], vector<16xf32>,
          %mul3A_195 = arith.mulf %gather3A_194, %get3A_193 : vector<16xf32>
          %mul3A_196 = arith.constant 16 : i32
          %mul3A_197 = arith.muli %scan3A_185, %mul3A_196 : i32
          %swap3A_198 = arith.index_cast %mul3A_197 : i32 to index
          %swap3A_199 = tpu.vector_load %arg12[%swap3A_198] {strides = array<i32>} : memref<2048xf32, #tpu.memory_space<vmem>>, vector<16xf32>,
          tpu.vector_store %arg12[%swap3A_198], %mul3A_195 {strides = array<i32>} : memref<2048xf32, #tpu.memory_space<vmem>>, vector<16xf32>,
          %scan3A_200 = arith.constant 7 : i32
          %scan3A_201 = arith.addi %scan3A_92, %scan3A_200 : i32
          %mul3A_202 = arith.constant 16 : i32
          %mul3A_203 = arith.muli %scan3A_201, %mul3A_202 : i32
          %get3A_204 = arith.index_cast %mul3A_203 : i32 to index
          %get3A_205 = tpu.vector_load %arg8[%get3A_204] {strides = array<i32>} : memref<2048xi32, #tpu.memory_space<vmem>>, vector<16xi32>,
          %mul3A_206 = arith.constant 16 : i32
          %mul3A_207 = arith.muli %scan3A_201, %mul3A_206 : i32
          %get3A_208 = arith.index_cast %mul3A_207 : i32 to index
          %get3A_209 = tpu.vector_load %arg10[%get3A_208] {strides = array<i32>} : memref<2048xf32, #tpu.memory_space<vmem>>, vector<16xf32>,
          %gather3A_210 = tpu.vector_load_idx %arg6[%get3A_205] : memref<100096xf32, #tpu.memory_space<vmem>>[vector<16xi32>], vector<16xf32>,
          %mul3A_211 = arith.mulf %gather3A_210, %get3A_209 : vector<16xf32>
          %mul3A_212 = arith.constant 16 : i32
          %mul3A_213 = arith.muli %scan3A_201, %mul3A_212 : i32
          %swap3A_214 = arith.index_cast %mul3A_213 : i32 to index
          %swap3A_215 = tpu.vector_load %arg12[%swap3A_214] {strides = array<i32>} : memref<2048xf32, #tpu.memory_space<vmem>>, vector<16xf32>,
          tpu.vector_store %arg12[%swap3A_214], %mul3A_211 {strides = array<i32>} : memref<2048xf32, #tpu.memory_space<vmem>>, vector<16xf32>,
        }
        %scan3A_86 = arith.constant 128 : i32
        %add3A_87 = arith.addi %add3A_4, %add3A_44 : i32
        %mul3A_88 = arith.constant 2048 : i32
        %mul3A_89 = arith.muli %add3A_87, %mul3A_88 : i32
        %dma_start3A_90 = tpu.memref_slice %arg5[%mul3A_89] : memref<6400000xf32, #tpu.memory_space<hbm>> -> memref<2048xf32, #tpu.memory_space<hbm>>
        %dma_start3A_91 = tpu.memref_slice %arg5[%mul3A_89] : memref<6400000xf32, #tpu.memory_space<hbm>> -> memref<2048xf32, #tpu.memory_space<hbm>>
        tpu.enqueue_dma source(%arg12 : memref<2048xf32, #tpu.memory_space<vmem>>) target(%dma_start3A_91 : memref<2048xf32, #tpu.memory_space<hbm>>) target_semaphore(%arg19 : memref<!tpu.dma_semaphore, #tpu.memory_space<semaphore_mem>>)
      } else {
      }
      %add3A_59 = arith.constant 2 : i32
      %add3A_60 = arith.addi %add3A_44, %add3A_59 : i32
      %lt3A_61 = arith.cmpi slt, %add3A_60, %add3A_8 : i32
      %convert_element_type3A_62 = arith.extui %lt3A_61 : i1 to i32
      %cond3A_63 = arith.constant 0 : i32
      %cond3A_64 = arith.cmpi ne, %convert_element_type3A_62, %cond3A_63 : i32
      scf.if %cond3A_64 {
        %add3A_65 = arith.constant 2 : i32
        %add3A_66 = arith.addi %add3A_44, %add3A_65 : i32
        %add3A_67 = arith.addi %add3A_4, %add3A_66 : i32
        %mul3A_68 = arith.constant 2048 : i32
        %mul3A_69 = arith.muli %add3A_67, %mul3A_68 : i32
        %dma_start3A_70 = arith.constant 0 : i32
        %dma_start3A_71 = tpu.memref_slice %arg2[%dma_start3A_70, %mul3A_69] : memref<2x6400000xi32, #tpu.memory_space<hbm>> -> memref<1x2048xi32, #tpu.memory_space<hbm>>
        %dma_start3A_72 = tpu.memref_squeeze %dma_start3A_71 : memref<1x2048xi32, #tpu.memory_space<hbm>> -> memref<2048xi32, #tpu.memory_space<hbm>>
        %dma_start3A_73 = tpu.memref_slice %arg2[%dma_start3A_70, %mul3A_69] : memref<2x6400000xi32, #tpu.memory_space<hbm>> -> memref<1x2048xi32, #tpu.memory_space<hbm>>
        %dma_start3A_74 = tpu.memref_squeeze %dma_start3A_73 : memref<1x2048xi32, #tpu.memory_space<hbm>> -> memref<2048xi32, #tpu.memory_space<hbm>>
        tpu.enqueue_dma source(%dma_start3A_74 : memref<2048xi32, #tpu.memory_space<hbm>>) target(%arg8 : memref<2048xi32, #tpu.memory_space<vmem>>) target_semaphore(%arg15 : memref<!tpu.dma_semaphore, #tpu.memory_space<semaphore_mem>>)
        %dma_start3A_75 = tpu.memref_slice %arg3[%mul3A_69] : memref<6400000xf32, #tpu.memory_space<hbm>> -> memref<2048xf32, #tpu.memory_space<hbm>>
        %dma_start3A_76 = tpu.memref_slice %arg3[%mul3A_69] : memref<6400000xf32, #tpu.memory_space<hbm>> -> memref<2048xf32, #tpu.memory_space<hbm>>
        tpu.enqueue_dma source(%dma_start3A_76 : memref<2048xf32, #tpu.memory_space<hbm>>) target(%arg10 : memref<2048xf32, #tpu.memory_space<vmem>>) target_semaphore(%arg17 : memref<!tpu.dma_semaphore, #tpu.memory_space<semaphore_mem>>)
      } else {
      }
    }
    %scan3A_34 = arith.constant 49 : i32
    %dma_wait3A = arith.constant 0 : i32
    %dma_wait3A_35 = tpu.memref_slice %arg5[%dma_wait3A] : memref<6400000xf32, #tpu.memory_space<hbm>> -> memref<2048xf32, #tpu.memory_space<hbm>>
    %dma_wait3A_36 = arith.constant 0 : i32
    %dma_wait3A_37 = tpu.memref_slice %arg5[%dma_wait3A_36] : memref<6400000xf32, #tpu.memory_space<hbm>> -> memref<2048xf32, #tpu.memory_space<hbm>>
    tpu.wait_dma2 semaphore(%arg18 : memref<!tpu.dma_semaphore, #tpu.memory_space<semaphore_mem>>) src(%arg11 : memref<2048xf32, #tpu.memory_space<vmem>>) dst(%dma_wait3A_37 : memref<2048xf32, #tpu.memory_space<hbm>>)
    %gt3A = arith.constant 1 : i32
    %gt3A_38 = arith.cmpi sgt, %add3A_8, %gt3A : i32
    %convert_element_type3A = arith.extui %gt3A_38 : i1 to i32
    %cond3A = arith.constant 0 : i32
    %cond3A_39 = arith.cmpi ne, %convert_element_type3A, %cond3A : i32
    scf.if %cond3A_39 {
      %dma_wait3A_40 = arith.constant 0 : i32
      %dma_wait3A_41 = tpu.memref_slice %arg5[%dma_wait3A_40] : memref<6400000xf32, #tpu.memory_space<hbm>> -> memref<2048xf32, #tpu.memory_space<hbm>>
      %dma_wait3A_42 = arith.constant 0 : i32
      %dma_wait3A_43 = tpu.memref_slice %arg5[%dma_wait3A_42] : memref<6400000xf32, #tpu.memory_space<hbm>> -> memref<2048xf32, #tpu.memory_space<hbm>>
      tpu.wait_dma2 semaphore(%arg19 : memref<!tpu.dma_semaphore, #tpu.memory_space<semaphore_mem>>) src(%arg12 : memref<2048xf32, #tpu.memory_space<vmem>>) dst(%dma_wait3A_43 : memref<2048xf32, #tpu.memory_space<hbm>>)
    } else {
    }
    return
  }
}

module attributes {stable_mosaic.version = 14 : i64} {
  func.func @body(%arg0: i32, %arg1: memref<32x1x4096xf32, #tpu.memory_space<vmem>>, %arg2: memref<1x4096xf32, #tpu.memory_space<vmem>>, %arg3: memref<1x4096xf32, #tpu.memory_space<vmem>>, %arg4: memref<64x1xf32, #tpu.memory_space<vmem>>, %arg5: memref<64x1xf32, #tpu.memory_space<vmem>>, %arg6: memref<64x1xf32, #tpu.memory_space<vmem>>, %arg7: memref<64x4096xf32, #tpu.memory_space<vmem>>) attributes {dimension_semantics = [#tpu.dimension_semantics<arbitrary>], iteration_bounds = array<i64: 25>, scalar_prefetch = 0 : i64, scratch_operands = 0 : i64, tpu.core_type = #tpu.core_type<tc>, window_params = [{transform_indices = @transform_0, window_bounds = array<i64: 32, 1, 4096>}, {transform_indices = @transform_1, window_bounds = array<i64: 1, 4096>}, {transform_indices = @transform_2, window_bounds = array<i64: 1, 4096>}, {pipeline_mode = #tpu.pipeline_mode<synchronous>, transform_indices = @transform_3, window_bounds = array<i64: 64, 1>}, {pipeline_mode = #tpu.pipeline_mode<synchronous>, transform_indices = @transform_4, window_bounds = array<i64: 64, 1>}, {pipeline_mode = #tpu.pipeline_mode<synchronous>, transform_indices = @transform_5, window_bounds = array<i64: 64, 1>}, {transform_indices = @transform_6, window_bounds = array<i64: 64, 4096>}]} {
    %get3A = arith.constant 0 : index
    %get3A_0 = arith.constant 0 : index
    %get3A_1 = arith.constant 0 : index
    %get3A_2 = vector.load %arg1[%get3A, %get3A_0, %get3A_1] : memref<32x1x4096xf32, #tpu.memory_space<vmem>>, vector<32x1x4096xf32>
    %reduce_sum3A = arith.constant dense<0.000000e+00> : vector<1x4096xf32>
    %reduce_sum3A_3 = vector.multi_reduction <add>, %get3A_2, %reduce_sum3A [0] : vector<32x1x4096xf32> to vector<1x4096xf32>
    %get3A_4 = arith.constant 0 : index
    %get3A_5 = arith.constant 0 : index
    %get3A_6 = vector.load %arg2[%get3A_4, %get3A_5] : memref<1x4096xf32, #tpu.memory_space<vmem>>, vector<1x4096xf32>
    %neg3A = arith.constant 0.000000e+00 : f32
    %neg3A_7 = vector.broadcast %neg3A : f32 to vector<1x4096xf32>
    %neg3A_8 = arith.subf %neg3A_7, %get3A_6 : vector<1x4096xf32>
    %mul3A = arith.mulf %neg3A_8, %reduce_sum3A_3 : vector<1x4096xf32>
    %get3A_9 = arith.constant 0 : index
    %get3A_10 = arith.constant 0 : index
    %get3A_11 = vector.load %arg3[%get3A_9, %get3A_10] : memref<1x4096xf32, #tpu.memory_space<vmem>>, vector<1x4096xf32>
    %get3A_12 = arith.constant 0 : index
    %get3A_13 = arith.constant 0 : index
    %get3A_14 = vector.load %arg4[%get3A_12, %get3A_13] : memref<64x1xf32, #tpu.memory_space<vmem>>, vector<64x1xf32>
    %mul3A_15 = vector.broadcast %get3A_11 : vector<1x4096xf32> to vector<64x4096xf32>
    %mul3A_16 = vector.broadcast %get3A_14 : vector<64x1xf32> to vector<64x4096xf32>
    %mul3A_17 = arith.mulf %mul3A_15, %mul3A_16 : vector<64x4096xf32>
    %get3A_18 = arith.constant 0 : index
    %get3A_19 = arith.constant 0 : index
    %get3A_20 = vector.load %arg5[%get3A_18, %get3A_19] : memref<64x1xf32, #tpu.memory_space<vmem>>, vector<64x1xf32>
    %mul3A_21 = vector.broadcast %mul3A : vector<1x4096xf32> to vector<64x4096xf32>
    %mul3A_22 = vector.broadcast %get3A_20 : vector<64x1xf32> to vector<64x4096xf32>
    %mul3A_23 = arith.mulf %mul3A_21, %mul3A_22 : vector<64x4096xf32>
    %add3A = arith.addf %mul3A_17, %mul3A_23 : vector<64x4096xf32>
    %get3A_24 = arith.constant 0 : index
    %get3A_25 = arith.constant 0 : index
    %get3A_26 = vector.load %arg6[%get3A_24, %get3A_25] : memref<64x1xf32, #tpu.memory_space<vmem>>, vector<64x1xf32>
    %add3A_27 = vector.broadcast %get3A_26 : vector<64x1xf32> to vector<64x4096xf32>
    %add3A_28 = arith.addf %add3A, %add3A_27 : vector<64x4096xf32>
    %ge3A = arith.constant 0.000000e+00 : f32
    %ge3A_29 = vector.broadcast %ge3A : f32 to vector<64x4096xf32>
    %ge3A_30 = arith.cmpf oge, %add3A_28, %ge3A_29 : vector<64x4096xf32>
    %mul3A_31 = arith.constant 0.00999999977 : f32
    %mul3A_32 = vector.broadcast %mul3A_31 : f32 to vector<64x4096xf32>
    %mul3A_33 = arith.mulf %mul3A_32, %add3A_28 : vector<64x4096xf32>
    %select_n3A = arith.select %ge3A_30, %add3A_28, %mul3A_33 : vector<64x4096xi1>, vector<64x4096xf32>
    %swap3A = arith.constant 0 : index
    %swap3A_34 = arith.constant 0 : index
    %swap3A_35 = vector.load %arg7[%swap3A, %swap3A_34] : memref<64x4096xf32, #tpu.memory_space<vmem>>, vector<64x4096xf32>
    tpu.vector_store %arg7[%swap3A, %swap3A_34], %select_n3A {strides = array<i32>} : memref<64x4096xf32, #tpu.memory_space<vmem>>, vector<64x4096xf32>,
    return
  }
  func.func @transform_0(%arg0: i32) -> (i32, i32, i32) {
    %c0_i32 = arith.constant 0 : i32
    %c0_i32_0 = arith.constant 0 : i32
    %c0_i32_1 = arith.constant 0 : i32
    return %c0_i32, %c0_i32_0, %arg0 : i32, i32, i32
  }
  func.func @transform_1(%arg0: i32) -> (i32, i32) {
    %c0_i32 = arith.constant 0 : i32
    %c0_i32_0 = arith.constant 0 : i32
    return %c0_i32, %arg0 : i32, i32
  }
  func.func @transform_2(%arg0: i32) -> (i32, i32) {
    %c0_i32 = arith.constant 0 : i32
    %c0_i32_0 = arith.constant 0 : i32
    return %c0_i32, %arg0 : i32, i32
  }
  func.func @transform_3(%arg0: i32) -> (i32, i32) {
    %c0_i32 = arith.constant 0 : i32
    %c0_i32_0 = arith.constant 0 : i32
    %c0_i32_1 = arith.constant 0 : i32
    return %c0_i32, %c0_i32_0 : i32, i32
  }
  func.func @transform_4(%arg0: i32) -> (i32, i32) {
    %c0_i32 = arith.constant 0 : i32
    %c0_i32_0 = arith.constant 0 : i32
    %c0_i32_1 = arith.constant 0 : i32
    return %c0_i32, %c0_i32_0 : i32, i32
  }
  func.func @transform_5(%arg0: i32) -> (i32, i32) {
    %c0_i32 = arith.constant 0 : i32
    %c0_i32_0 = arith.constant 0 : i32
    %c0_i32_1 = arith.constant 0 : i32
    return %c0_i32, %c0_i32_0 : i32, i32
  }
  func.func @transform_6(%arg0: i32) -> (i32, i32) {
    %c0_i32 = arith.constant 0 : i32
    %c0_i32_0 = arith.constant 0 : i32
    return %c0_i32, %arg0 : i32, i32
  }
}

module attributes {stable_mosaic.version = 14 : i64} {
  func.func @body(%arg0: i32, %arg1: memref<32x1x8192xf32, #tpu.memory_space<vmem>>, %arg2: memref<1x8192xf32, #tpu.memory_space<vmem>>, %arg3: memref<1x8192xf32, #tpu.memory_space<vmem>>, %arg4: memref<1x8192xf32, #tpu.memory_space<vmem>>) attributes {dimension_semantics = [#tpu.dimension_semantics<arbitrary>], iteration_bounds = array<i64: 13>, scalar_prefetch = 0 : i64, scratch_operands = 0 : i64, tpu.core_type = #tpu.core_type<tc>, window_params = [{transform_indices = @transform_0, window_bounds = array<i64: 32, 1, 8192>}, {transform_indices = @transform_1, window_bounds = array<i64: 1, 8192>}, {transform_indices = @transform_2, window_bounds = array<i64: 1, 8192>}, {transform_indices = @transform_3, window_bounds = array<i64: 1, 8192>}]} {
    %get3A = arith.constant 0 : index
    %get3A_0 = arith.constant 0 : index
    %get3A_1 = arith.constant 0 : index
    %get3A_2 = vector.load %arg1[%get3A, %get3A_0, %get3A_1] : memref<32x1x8192xf32, #tpu.memory_space<vmem>>, vector<32x1x8192xf32>
    %reduce_sum3A = arith.constant dense<0.000000e+00> : vector<1x8192xf32>
    %reduce_sum3A_3 = vector.multi_reduction <add>, %get3A_2, %reduce_sum3A [0] : vector<32x1x8192xf32> to vector<1x8192xf32>
    %gt3A = arith.constant 0.000000e+00 : f32
    %gt3A_4 = vector.broadcast %gt3A : f32 to vector<1x8192xf32>
    %gt3A_5 = arith.cmpf ogt, %reduce_sum3A_3, %gt3A_4 : vector<1x8192xf32>
    %max3A = arith.constant 9.99999996E-13 : f32
    %max3A_6 = vector.broadcast %max3A : f32 to vector<1x8192xf32>
    %max3A_7 = arith.maximumf %reduce_sum3A_3, %max3A_6 : vector<1x8192xf32>
    %rsqrt3A = math.rsqrt %max3A_7 : vector<1x8192xf32>
    %jit3A = arith.constant 0.000000e+00 : f32
    %broadcast_in_dim3A = vector.broadcast %jit3A : f32 to vector<1x8192xf32>
    %select_n3A = arith.select %gt3A_5, %rsqrt3A, %broadcast_in_dim3A : vector<1x8192xi1>, vector<1x8192xf32>
    %swap3A = arith.constant 0 : index
    %swap3A_8 = arith.constant 0 : index
    %swap3A_9 = vector.load %arg3[%swap3A, %swap3A_8] : memref<1x8192xf32, #tpu.memory_space<vmem>>, vector<1x8192xf32>
    tpu.vector_store %arg3[%swap3A, %swap3A_8], %select_n3A {strides = array<i32>} : memref<1x8192xf32, #tpu.memory_space<vmem>>, vector<1x8192xf32>,
    %get3A_10 = arith.constant 0 : index
    %get3A_11 = arith.constant 0 : index
    %get3A_12 = vector.load %arg2[%get3A_10, %get3A_11] : memref<1x8192xf32, #tpu.memory_space<vmem>>, vector<1x8192xf32>
    %mul3A = arith.mulf %select_n3A, %get3A_12 : vector<1x8192xf32>
    %swap3A_13 = arith.constant 0 : index
    %swap3A_14 = arith.constant 0 : index
    %swap3A_15 = vector.load %arg4[%swap3A_13, %swap3A_14] : memref<1x8192xf32, #tpu.memory_space<vmem>>, vector<1x8192xf32>
    tpu.vector_store %arg4[%swap3A_13, %swap3A_14], %mul3A {strides = array<i32>} : memref<1x8192xf32, #tpu.memory_space<vmem>>, vector<1x8192xf32>,
    return
  }
  func.func @transform_0(%arg0: i32) -> (i32, i32, i32) {
    %c0_i32 = arith.constant 0 : i32
    %c0_i32_0 = arith.constant 0 : i32
    %c0_i32_1 = arith.constant 0 : i32
    return %c0_i32, %c0_i32_0, %arg0 : i32, i32, i32
  }
  func.func @transform_1(%arg0: i32) -> (i32, i32) {
    %c0_i32 = arith.constant 0 : i32
    %c0_i32_0 = arith.constant 0 : i32
    return %c0_i32, %arg0 : i32, i32
  }
  func.func @transform_2(%arg0: i32) -> (i32, i32) {
    %c0_i32 = arith.constant 0 : i32
    %c0_i32_0 = arith.constant 0 : i32
    return %c0_i32, %arg0 : i32, i32
  }
  func.func @transform_3(%arg0: i32) -> (i32, i32) {
    %c0_i32 = arith.constant 0 : i32
    %c0_i32_0 = arith.constant 0 : i32
    return %c0_i32, %arg0 : i32, i32
  }
}

</mosaic_0001>

<sc_bundles>
// kernel: kernel.10.cloned.1.call-start
scs
__scs_entry_jumppad:
0x0: {  	(pc) =	sbr.rel $0x88, $3  }
0x1: {  	(tag) =	ssettag $0x0;
	lr =	simm.s32 $0x1  }
0x2: {  	[smem:$0x3F9B] =	sst lr;
	_ =	strace $0xD0000000  }
0x3: {  	_ = 	snop  }
0x4: {  	_ = 	snop  }
0x5: {  	_ = 	snop  }
0x6: {  	_ = 	snop  }
0x7: {  	_ = 	snop  }
__scs_overlays_trampoline_lowered:
0x8: {  	[smem:$0x3FAA] =	sst s0  }
0x9: {  	[smem:$0x3FAB] =	sst s1  }
0xa: {  	[smem:$0x3FAC] =	sst s2  }
0xb: {  	[smem:$0x3FAD] =	sst s3  }
0xc: {  	[smem:$0x3FAE] =	sst s4  }
0xd: {  	[smem:$0x3FAF] =	sst s5  }
0xe: {  	[smem:$0x3FB0] =	sst s6  }
0xf: {  	[smem:$0x3FB1] =	sst s7  }
0x10: {  	[smem:$0x3FB2] =	sst s8  }
0x11: {  	[smem:$0x3FB3] =	sst s9;
	s0 =	simm.s32 @!p0 $0x0  }
0x12: {  	s1 =	sld [smem:$0x3F99];
	s0 =	simm.s32 @p0 $0x1  }
0x13: {  	[smem:$0x3FB4] =	sst s0;
	s0 =	simm.s32 @!p1 $0x0  }
0x14: {  	s2 =	sld [smem:$0x3F98];
	s0 =	simm.s32 @p1 $0x1  }
0x15: {  	[smem:$0x3FB5] =	sst s0;
	s0 =	simm.s32 @!p2 $0x0  }
0x16: {  	s3 =	sld [smem:$0x3FDB];
	s0 =	simm.s32 @p2 $0x1  }
0x17: {  	s4 =	simm.s32 $0x1BF5;
	[smem:$0x3FB7] =	sst s0  }
0x18: {  	s0 =	sld [smem:$0x3F9A];
	_ =	swait.ge [sflag:s4], $0x0  }
0x19: {  	s7 =	sld [smem:$0x3F9B]  }
0x1a: {  	s8 =	sadd.s32 $0xFFFFE003, lr  }
0x1b: {  	s9 =	sadd.s32 $0xFFFFFEF7, lr;
	s5 =	simm.s32 $0xFFFFFFFF;
	p2 =	slt.u32 s8, $0xFFFFF086  }
0x1c: {  	p1 =	slt.u32 s9, $0xF7A;
	s5 =	simm.s32 @!p2 $0x0  }
0x1d: {  	s5 =	simm.s32 @p1 $0x1;
	p0 =	seq.s32 s7, s2  }
0x1e: {  	s7 =	smul.u32 @!p0 $0xF7A, s2;
	p2 =	seq.s32 @!p0 s5, $0x0  }
0x1f: {  	s9 =	smul.u32 $0xF7A, s1;
	s8 =	simm.s32 @!p0 $0x1BF5;
	p2 =	por !p2, p0  }
0x20: {  	[sflag:s8] =	ssyncset.s32 @!p0 $0xFFFFF086;
	s6 =	sadd.s32 @!p0 s3, s7;
	s7 =	simm.s32 @!p0 $0x108  }
0x21: {  	s3 =	sadd.s32 s3, s9;
	s6 =	sadd.s32 @!p0 $0x88, s6;
	s7 =	simm.s32 @p2 $0x1082  }
0x22: {  	[simem:s7], [sflag:s8] =	dma.local @!p0 [hbm:s6], $0xF7A  }
0x23: {  	s9 =	sor.u32 $0xD0000000, s2;
	s6 =	simm.s32 $0x108;
	_ =	swait.ge @!p0 [sflag:s8], $0x0  }
0x24: {  	s3 =	sadd.s32 $0x88, s3;
	s6 =	simm.s32 @!p1 $0x1082;
	[sflag:s4] =	ssyncset.s32 $0xFFFFF086  }
0x25: {  	[simem:s6], [sflag:s4] =	dma.local [hbm:s3], $0xF7A  }
0x26: {  	[smem:$0x3F9B] =	sst s1;
	(tag) =	ssettag s2;
	_ =	strace s9  }
0x27: {  	s1 =	sld [smem:$0x3FAB]  }
0x28: {  	s2 =	sld [smem:$0x3FAC]  }
0x29: {  	s4 =	sld [smem:$0x3FAE]  }
0x2a: {  	p0 =	seq.s32 s5, $0x0;
	s5 =	sld [smem:$0x3FAF]  }
0x2b: {  	s6 =	sld [smem:$0x3FB0]  }
0x2c: {  	s7 =	sld [smem:$0x3FB1]  }
0x2d: {  	s3 =	simm.s32 $0x108;
	s8 =	sld [smem:$0x3FB2]  }
0x2e: {  	s3 =	simm.s32 @!p0 $0x1082;
	s9 =	sld [smem:$0x3FB3]  }
0x2f: {  	lr =	sadd.s32 s0, s3;
	s0 =	sld [smem:$0x3FAA]  }
0x30: {  	s3 =	sld [smem:$0x3FAD]  }
0x31: {  	[smem:$0x3FB6] =	sst s10  }
0x32: {  	s10 =	sld [smem:$0x3FB4];
	_ =	sdelay $0x3  }
0x33: {  	p0 =	seq.s32 s10, $0x1;
	s10 =	sld [smem:$0x3FB6];
	_ =	sdelay $0x3  }
0x34: {  	[smem:$0x3FB6] =	sst s10  }
0x35: {  	s10 =	sld [smem:$0x3FB5];
	_ =	sdelay $0x3  }
0x36: {  	p1 =	seq.s32 s10, $0x1;
	s10 =	sld [smem:$0x3FB6];
	_ =	sdelay $0x3  }
0x37: {  	[smem:$0x3FB6] =	sst s10  }
0x38: {  	s10 =	sld [smem:$0x3FB7]  }
0x39: {  	_ = 	snop;
	(pc) =	sbr.ind lr, $3  }
0x3a: {  	_ = 	snop  }
0x3b: {  	_ = 	snop  }
0x3c: {  	p2 =	seq.s32 s10, $0x1;
	s10 =	sld [smem:$0x3FB6]  }
0x3d: {  	_ =	shalt  }
0x3e: {  	_ =	shalt  }
0x3f: {  	_ =	shalt  }
0x40: {  	_ =	shalt  }
0x41: {  	_ =	shalt  }
0x42: {  	_ =	shalt  }
0x43: {  	_ =	shalt  }
0x44: {  	_ =	shalt  }
0x45: {  	_ =	shalt  }
0x46: {  	_ =	shalt  }
0x47: {  	_ =	shalt  }
0x48: {  	_ =	shalt  }
0x49: {  	_ =	shalt  }
0x4a: {  	_ =	shalt  }
0x4b: {  	_ =	shalt  }
0x4c: {  	_ =	shalt  }
0x4d: {  	_ =	shalt  }
0x4e: {  	_ =	shalt  }
0x4f: {  	_ =	shalt  }
0x50: {  	_ =	shalt  }
0x51: {  	_ =	shalt  }
0x52: {  	_ =	shalt  }
0x53: {  	_ =	shalt  }
0x54: {  	_ =	shalt  }
0x55: {  	_ =	shalt  }
0x56: {  	_ =	shalt  }
0x57: {  	_ =	shalt  }
0x58: {  	_ =	shalt  }
0x59: {  	_ =	shalt  }
0x5a: {  	_ =	shalt  }
0x5b: {  	_ =	shalt  }
0x5c: {  	_ =	shalt  }
0x5d: {  	_ =	shalt  }
0x5e: {  	_ =	shalt  }
0x5f: {  	_ =	shalt  }
0x60: {  	_ =	shalt  }
0x61: {  	_ =	shalt  }
0x62: {  	_ =	shalt  }
0x63: {  	_ =	shalt  }
0x64: {  	_ =	shalt  }
0x65: {  	_ =	shalt  }
0x66: {  	_ =	shalt  }
0x67: {  	_ =	shalt  }
0x68: {  	_ =	shalt  }
0x69: {  	_ =	shalt  }
0x6a: {  	_ =	shalt  }
0x6b: {  	_ =	shalt  }
0x6c: {  	_ =	shalt  }
0x6d: {  	_ =	shalt  }
0x6e: {  	_ =	shalt  }
0x6f: {  	_ =	shalt  }
0x70: {  	_ =	shalt  }
0x71: {  	_ =	shalt  }
0x72: {  	_ =	shalt  }
0x73: {  	_ =	shalt  }
0x74: {  	_ =	shalt  }
0x75: {  	_ =	shalt  }
0x76: {  	_ =	shalt  }
0x77: {  	_ =	shalt  }
0x78: {  	_ =	shalt  }
0x79: {  	_ =	shalt  }
0x7a: {  	_ =	shalt  }
0x7b: {  	_ =	shalt  }
0x7c: {  	_ =	shalt  }
0x7d: {  	_ =	shalt  }
0x7e: {  	_ =	shalt  }
0x7f: {  	_ =	shalt  }
0x80: {  	_ =	shalt  }
0x81: {  	_ =	shalt  }
0x82: {  	_ =	shalt  }
0x83: {  	_ =	shalt  }
0x84: {  	_ =	shalt  }
0x85: {  	_ =	shalt  }
0x86: {  	_ =	shalt  }
0x87: {  	_ =	shalt  }
.Lfunc_end0:
.L_simem_size_0:
called_computation.1_lowered:
.L_overlay_start_0:
0x88: {  	s2 =	sld [smem:$0x3FD9]  }
0x89: {  	s3 =	sld [smem:$0x3FFE];
	_ =	sdelay $0x1  }
0x8a: {  	s1 =	srdreg.scid  }
0x8b: {  	s0 =	sand.u32 $0x1, s1  }
0x8c: {  	s17 =	sshll.u32 s0, $0xA;
	s2 =	sadd.s32 s3, s2  }
0x8d: {  	s2 =	sadd.s32 s2, s17  }
0x8e: {  	[smem:$0x3FC2] =	sst s2  }
0x8f: {  	_ = 	snop  }
0x90: {  	s2 =	sld [smem:$0x3FC8]  }
0x91: {  	s18 =	sld [smem:$0x3FC7]  }
0x92: {  	s4 =	sld [smem:$0x3FD0];
	(tm) =	ssettm $0x1  }
0x93: {  	s5 =	sld [smem:$0x3FFB];
	_ =	sdelay $0x3  }
0x94: {  	_ =	strace s5  }
0x95: {  	s5 =	sld [smem:$0x3FFC];
	_ =	sdelay $0x3  }
0x96: {  	_ =	strace s5  }
0x97: {  	s5 =	sld [smem:$0x3FFD];
	_ =	sdelay $0x3  }
0x98: {  	_ =	strace s5  }
0x99: {  	_ =	strace $0x8FFFFFFF  }
0x9a: {  	s19 =	sld [smem:$0x3FDB];
	_ =	sdelay $0x1  }
0x9b: {  	s6 =	simm.s32 $_scs_section_size  }
0x9c: {  	s7 =	simm.s32 $_size__tile_overlayer_lowered;
	s8 =	simm.s32 $_tile_overlayer_lowered  }
0x9d: {  	s22 =	simm.s32 $0x1BFF;
	s21 =	sshll.u32 s8, $0x1;
	s5 =	sadd.s32 s6, s19  }
0x9e: {  	s9 =	simm.s32 $0x0;
	s20 =	sshll.u32 s7, $0x1;
	s7 =	sadd.s32 s21, s5  }
0x9f: {  	[timem:s9], [sflag:s22] =	dma.local [hbm:s7], s20  }
0xa0: {  	_ =	swait.ge [sflag:s22], s20  }
0xa1: {  	s6 =	ssub.s32 $0x0, s20;
	[sflag:s22] =	ssyncset.done $0x0  }
0xa2: {  	[sflag:s22] =	ssyncadd.s32 s6;
	_ =	sdelay $0x1  }
0xa3: {  	s23 =	simm.s32 $0x1B8B  }
0xa4: {  	_ =	swait.ge [sflag:s23], $0x1  }
0xa5: {  	[sflag:s23] =	ssyncset.done $0x0  }
0xa6: {  	s25 =	simm.s32 $0x1B8E;
	s24 =	sld [smem:$0x3FFE];
	[sflag:s23] =	ssyncadd.s32 $0xFFFFFFFF  }
0xa7: {  	s26 =	simm.s32 $execute0_lowered;
	[smem:$0x3FD2] =	sst s25  }
0xa8: {  	s7 =	sshll.u32 s26, $0x1;
	_ =	strace $0x80000049;
	[dreg:$0x1] =	wrdreg $0xFFFFFFFF  }
0xa9: {  	s28 =	simm.s32 $_size_execute0_lowered;
	s5 =	sadd.s32 s5, s7;
	[dreg:$0x0] =	wrdreg $0x0  }
0xaa: {  	s7 =	sshll.u32 s28, $0x1;
	[dreg:$0x2] =	wrdreg s5  }
0xab: {  	[dreg:$0x3] =	wrdreg s7  }
0xac: {  	[dreg:$0x4] =	wrdreg $0xC0  }
0xad: {  	_ =	task [dreg:s9], $0x5FFFF  }
0xae: {  	[dreg:$0x1] =	wrdreg $0xFFFFFFFF  }
0xaf: {  	[dreg:$0x0] =	wrdreg $0x60  }
0xb0: {  	[dreg:$0x2] =	wrdreg s2  }
0xb1: {  	[dreg:$0x3] =	wrdreg s18  }
0xb2: {  	[dreg:$0x4] =	wrdreg s24  }
0xb3: {  	[dreg:$0x5] =	wrdreg s4  }
0xb4: {  	[dreg:$0x6] =	wrdreg $0x9  }
0xb5: {  	_ =	task.clear_ibuf [dreg:s9], $0x7FFFF;
	_ =	strace $0x90000049  }
0xb6: {  	s29 =	simm.s32 $0x9;
	_ =	strace $0x8000004B  }
0xb7: {  	_ =	swait.ge [sflag:s29], $0x1  }
0xb8: {  	[sflag:s29] =	ssyncadd.s32 $0xFFFFFFFF  }
0xb9: {  	_ =	strace $0x9000004B  }
0xba: {  	_ =	sfence  }
0xbb: {  	s30 =	sld [smem:$0x0];
	_ =	sdelay $0x2  }
0xbc: {  	s31 =	sshll.u32 s1, $0xD;
	s1 =	sshrl.u32 s1, $0x2  }
0xbd: {  	s3 =	sand.u32 $0x4000, s31;
	s1 =	sadd.s32 s1, s30  }
0xbe: {  	s0 =	sor.u32 s3, s0;
	s1 =	sshll.u32 s1, $0x11  }
0xbf: {  	s0 =	sor.u32 s1, s0  }
0xc0: {  	s0 =	sadd.s32 $0x8F2B, s0  }
0xc1: {  	[sflag:s0] =	ssyncadd.remote.s32 $0x1  }
0xc2: {  	_ =	sfence.sel $0xFFFF  }
0xc3: {  	[dreg:$0x0] =	wrdreg $0xFFFFFFFF;
	(pc) =	sbr.abs _section_cstart, $3  }
0xc4: {  	[dreg:$0x1] =	wrdreg $0xFFFFFFFF  }
0xc5: {  	_ =	task.clear_ibuf [dreg:s9], $0x2FFFF;
	_ =	strace $0x9FFFFFFF  }
0xc6: {  	(tm) =	ssettm $0x7FFFFFFF  }
0xc7: {  	_ =	shalt  }
tec
execute0_lowered:
.L_overlay_start_1:
0x0: {  	(tag) =	ssettag $0x1  }
0x1: {  	s1 =	rddreg [dreg:$0x0]  }
0x2: {  	s2 =	rddreg [dreg:$0x1]  }
0x3: {  	s0 =	rddreg [dreg:$0x2];
	s3 =	srdreg.scid  }
0x4: {  	s5 =	stileid.u32;
	s4 =	rddreg [dreg:$0x3];
	s14 =	simm.s32 $0x80  }
0x5: {  	s15 =	simm.s32 $0x100;
	s20 =	simm.s32 $0x1;
	s21 =	simm.s32 $0x2  }
0x6: {  	s22 =	simm.s32 $0x4;
	s23 =	simm.s32 $0x1A700;
	s24 =	simm.s32 $0x3  }
0x7: {  	s28 =	simm.s32 $0x6;
	s29 =	simm.s32 $0x7;
	s30 =	simm.s32 $0x0  }
0x8: {  	s3 =	sand.u32 $0x1, s3;
	s6 =	sshll.u32 s5, $0x1;
	s5 =	simm.s32 $0x0  }
0x9: {  	s8 =	sor.u32 s3, s6;
	[smem:$0x7FF] =	sst s5;
	s3 =	ssub.s32 $0x2, s3  }
0xa: {  	s6 =	sadd.s32 $0x4E00, s0;
	s7 =	smul.u32 $0x61, s8;
	s9 =	sshrl.u32 s3, $0x1  }
0xb: {  	s10 =	smin.u32 s8, $0x15;
	p0 =	slt.u32 s8, $0x15;
	s8 =	simm.s32 $0x62  }
0xc: {  	_ =	strace $0x8000004A;
	s25 =	ssub.s32 s3, s9;
	s8 =	simm.s32 @!p0 $0x61  }
.Ltmp0:
0xd: {  	s7 =	sadd.s32 s10, s7;
	s13 =	smax.u32 s25, $0x1;
	(pc) =	sbr.rel .LBB2_1-.Ltmp0, $4  }
0xe: {  	s25 =	simm.s32 $0x5;
	s26 =	sshll.u32 s7, $0xB;
	s31 =	sshll.u32 s7, $0x9  }
0xf: {  	s10 =	sshll.u32 s7, $0x8;
	s3 =	sadd.s32 $0x800, s26;
	s9 =	sadd.s32 s1, s31  }
0x10: {  	s10 =	sadd.s32 s2, s10;
	s11 =	sshrl.u32 s3, $0x2;
	s3 =	sshrl.u32 s3, $0x3  }
0x11: {  	s26 =	simm.s32 $0x1AF00;
	s11 =	sadd.s32 s1, s11;
	s12 =	sadd.s32 s2, s3  }
.LBB2_11:
0x12: {  	s30 =	sadd.s32 $0x1, s30  }
0x13: {  	_ =	swait.ge [sflag:s28], $0x800;
	p0 =	sne.s32 s30, s13  }
.Ltmp1:
0x14: {  	[sflag:s28] =	ssyncset.done $0x0;
	(pc) =	sbr.rel @!p0 .LBB2_12-.Ltmp1, $4  }
0x15: {  	[sflag:s28] =	ssyncadd.s32 $0xFFFFF800  }
0x16: {  	_ =	swait.ge [sflag:s29], $0x800  }
0x17: {  	[sflag:s29] =	ssyncset.done $0x0  }
0x18: {  	[sflag:s29] =	ssyncadd.s32 $0xFFFFF800  }
.LBB2_1:
0x19: {  	[tilespmem:s5], [sflag:$0x1] =	stream.linear.gather [hbm4b:s6+s5], $0x18700, $0x38;
	[tilespmem:$0x1B700] =	vst v63  }
0x1a: {  	s0 =	simm.s32 $0x18700  }
0x1b: {  	[tilespmem:s0], [sflag:$0x2] =	stream.strided.gather [hbm4b:s9+s14], $0x800, s15, s14, $0x38;
	[tilespmem:$0x1B700] =	vst v63  }
0x1c: {  	s17 =	simm.s32 $0x19700  }
0x1d: {  	[tilespmem:s17], [sflag:$0x4] =	stream.linear.gather [hbm4b:s10+s5], $0x800, $0x38;
	[tilespmem:$0x1B700] =	vst v63  }
0x1e: {  	s18 =	simm.s32 $0x18F00  }
0x1f: {  	[tilespmem:s18], [sflag:$0x3] =	stream.strided.gather [hbm4b:s11+s14], $0x800, s15, s14, $0x38;
	[tilespmem:$0x1B700] =	vst v63  }
.Ltmp2:
0x20: {  	s19 =	simm.s32 $0x19F00;
	(pc) =	sbr.rel .LBB2_2-.Ltmp2, $4  }
0x21: {  	[tilespmem:s19], [sflag:$0x5] =	stream.linear.gather [hbm4b:s12+s5], $0x800, $0x38;
	[tilespmem:$0x1B700] =	vst v63  }
0x22: {  	_ =	swait.ge [sflag:s20], $0x18700  }
0x23: {  	[sflag:s20] =	ssyncset.done $0x0  }
0x24: {  	s31 =	simm.s32 $0x0;
	[sflag:s20] =	ssyncadd.s32 $0xFFFE7900  }
.LBB2_10:
0x25: {  	s0 =	sadd.s32 $0x3, s3  }
0x26: {  	p0 =	sge.u32 s0, s8  }
0x27: {  	s0 =	sadd.s32 @!p0 s7, s0  }
0x28: {  	s31 =	sadd.s32 $0x1, s31;
	s16 =	simm.s32 @!p0 $0x80;
	s3 =	sshll.u32 @!p0 s0, $0x9  }
0x29: {  	s17 =	simm.s32 @!p0 $0x100;
	s0 =	sshll.u32 @!p0 s0, $0x8;
	s3 =	sand.u32 @!p0 $0x1FFFFE00, s3  }
0x2a: {  	s18 =	simm.s32 @!p0 $0x18F00;
	s0 =	sand.u32 @!p0 $0x1FFFFF00, s0;
	s3 =	sadd.s32 @!p0 s1, s3  }
0x2b: {  	[tilespmem:s18], [sflag:$0x3] =	stream.strided.gather @!p0 [hbm4b:s3+s16], $0x800, s17, s16, $0x38;
	[tilespmem:$0x1B700] =	vst v63  }
0x2c: {  	s0 =	sadd.s32 @!p0 s2, s0;
	s3 =	simm.s32 @!p0 $0x0;
	s16 =	simm.s32 @!p0 $0x19F00  }
0x2d: {  	[tilespmem:s16], [sflag:$0x5] =	stream.linear.gather @!p0 [hbm4b:s0+s3], $0x800, $0x38;
	[tilespmem:$0x1B700] =	vst v63  }
0x2e: {  	p0 =	sne.s32 s31, $0x31  }
.Ltmp3:
0x2f: {  	_ = 	snop;
	(pc) =	sbr.rel @!p0 .LBB2_11-.Ltmp3, $1  }
0x30: {  	_ =	sdelay $0x3  }
.LBB2_2:
0x31: {  	s3 =	sshll.u32 s31, $0x1  }
0x32: {  	p0 =	sge.u32 s3, s8  }
.Ltmp4:
0x33: {  	_ = 	snop;
	(pc) =	sbr.rel @p0 .LBB2_6-.Ltmp4, $1  }
0x34: {  	_ =	sdelay $0x3  }
0x35: {  	_ =	swait.ge [sflag:s21], $0x800  }
0x36: {  	[sflag:s21] =	ssyncset.done $0x0  }
0x37: {  	[sflag:s21] =	ssyncadd.s32 $0xFFFFF800  }
0x38: {  	_ =	swait.ge [sflag:s22], $0x800  }
0x39: {  	p0 =	seq.s32 s31, $0x0;
	[sflag:s22] =	ssyncset.done $0x0  }
0x3a: {  	s0 =	simm.s32 @!p0 $0x6;
	[sflag:s22] =	ssyncadd.s32 $0xFFFFF800  }
0x3b: {  	_ =	swait.ge @!p0 [sflag:s0], $0x800  }
0x3c: {  	s16 =	simm.s32 $0x18740;
	s17 =	simm.s32 $0x19740;
	[sflag:s0] =	ssyncset.done @!p0 $0x0  }
0x3d: {  	s18 =	simm.s32 $0x1A740;
	[sflag:s0] =	ssyncadd.s32 @!p0 $0xFFFFF800;
	s0 =	simm.s32 $0xFFFFFFF8  }
.LBB2_4:
0x3e: {  	v0 =	vld [tilespmem:s16+$0xFFFFFFC0];
	_ =	sdelay $0x6  }
0x3f: {  	v1 =	vld [tilespmem:s17+$0xFFFFFFC0]  }
0x40: {  	v0 =	vld.idx.msk [tilespmem:v0+s5+$0x0], $0xffff;
	_ =	sdelay $0x4  }
0x41: {  	v0 =	vmul.f32 v0, v1;
	_ =	sdelay $0x1  }
0x42: {  	[tilespmem:s18+$0xFFFFFFC0] =	vst v0  }
0x43: {  	v0 =	vld [tilespmem:s16+$0xFFFFFFD0];
	_ =	sdelay $0x6  }
0x44: {  	v57 =	vld [tilespmem:s17+$0xFFFFFFD0]  }
0x45: {  	v0 =	vld.idx.msk [tilespmem:v0+s5+$0x0], $0xffff;
	_ =	sdelay $0x4  }
0x46: {  	v0 =	vmul.f32 v0, v57;
	_ =	sdelay $0x1  }
0x47: {  	[tilespmem:s18+$0xFFFFFFD0] =	vst v0  }
0x48: {  	v0 =	vld [tilespmem:s16+$0xFFFFFFE0];
	_ =	sdelay $0x6  }
0x49: {  	v58 =	vld [tilespmem:s17+$0xFFFFFFE0]  }
0x4a: {  	v0 =	vld.idx.msk [tilespmem:v0+s5+$0x0], $0xffff;
	_ =	sdelay $0x4  }
0x4b: {  	v0 =	vmul.f32 v0, v58;
	_ =	sdelay $0x1  }
0x4c: {  	[tilespmem:s18+$0xFFFFFFE0] =	vst v0  }
0x4d: {  	v0 =	vld [tilespmem:s16+$0xFFFFFFF0];
	_ =	sdelay $0x6  }
0x4e: {  	v59 =	vld [tilespmem:s17+$0xFFFFFFF0]  }
0x4f: {  	v0 =	vld.idx.msk [tilespmem:v0+s5+$0x0], $0xffff;
	_ =	sdelay $0x4  }
0x50: {  	v0 =	vmul.f32 v0, v59;
	_ =	sdelay $0x1  }
0x51: {  	[tilespmem:s18+$0xFFFFFFF0] =	vst v0  }
0x52: {  	v0 =	vld [tilespmem:s16+$0x0];
	_ =	sdelay $0x6  }
0x53: {  	v60 =	vld [tilespmem:s17+$0x0]  }
0x54: {  	v0 =	vld.idx.msk [tilespmem:v0+s5+$0x0], $0xffff;
	_ =	sdelay $0x4  }
0x55: {  	v0 =	vmul.f32 v0, v60;
	_ =	sdelay $0x1  }
0x56: {  	[tilespmem:s18+$0x0] =	vst v0  }
0x57: {  	v0 =	vld [tilespmem:s16+$0x10];
	_ =	sdelay $0x6  }
0x58: {  	v61 =	vld [tilespmem:s17+$0x10]  }
0x59: {  	v0 =	vld.idx.msk [tilespmem:v0+s5+$0x0], $0xffff;
	_ =	sdelay $0x4  }
0x5a: {  	v0 =	vmul.f32 v0, v61;
	_ =	sdelay $0x1  }
0x5b: {  	[tilespmem:s18+$0x10] =	vst v0  }
0x5c: {  	v0 =	vld [tilespmem:s16+$0x20];
	_ =	sdelay $0x6  }
0x5d: {  	v62 =	vld [tilespmem:s17+$0x20]  }
0x5e: {  	v0 =	vld.idx.msk [tilespmem:v0+s5+$0x0], $0xffff;
	_ =	sdelay $0x4  }
0x5f: {  	v0 =	vmul.f32 v0, v62;
	_ =	sdelay $0x1  }
0x60: {  	[tilespmem:s18+$0x20] =	vst v0  }
0x61: {  	v0 =	vld [tilespmem:s16+$0x30];
	_ =	sdelay $0x6  }
0x62: {  	v63 =	vld [tilespmem:s17+$0x30]  }
0x63: {  	v0 =	vld.idx.msk [tilespmem:v0+s5+$0x0], $0xffff  }
0x64: {  	s0 =	sadd.s32 $0x8, s0  }
0x65: {  	p0 =	slt.u32 s0, $0x78  }
.Ltmp5:
0x66: {  	_ = 	snop;
	(pc) =	sbr.rel @p0 .LBB2_4-.Ltmp5, $3  }
0x67: {  	_ = 	snop  }
0x68: {  	v0 =	vmul.f32 v0, v63;
	_ =	sdelay $0x1  }
0x69: {  	s16 =	sadd.s32 $0x80, s16;
	s17 =	sadd.s32 $0x80, s17;
	[tilespmem:s18+$0x30] =	vst v0;
	s18 =	sadd.s32 $0x80, s18  }
0x6a: {  	s0 =	sadd.s32 s7, s3  }
0x6b: {  	s0 =	sshll.u32 s0, $0x8  }
0x6c: {  	s0 =	sand.u32 $0x1FFFFF00, s0  }
0x6d: {  	s0 =	sadd.s32 s4, s0  }
0x6e: {  	[hbm4b:s0+s5] =	stream.linear.scatter [tilespmem:s23], [sflag:$0x6], $0x800, $0x38;
	[tilespmem:$0x1B700] =	vst v63  }
.LBB2_6:
0x6f: {  	s0 =	sadd.s32 $0x2, s3  }
0x70: {  	p0 =	sge.u32 s0, s8  }
0x71: {  	s0 =	sadd.s32 @!p0 s7, s0  }
0x72: {  	s16 =	sshll.u32 @!p0 s0, $0x9  }
0x73: {  	s17 =	simm.s32 @!p0 $0x80;
	s16 =	sand.u32 @!p0 $0x1FFFFE00, s16  }
0x74: {  	s18 =	simm.s32 @!p0 $0x100;
	s19 =	simm.s32 @!p0 $0x18700;
	s16 =	sadd.s32 @!p0 s1, s16  }
0x75: {  	[tilespmem:s19], [sflag:$0x2] =	stream.strided.gather @!p0 [hbm4b:s16+s17], $0x800, s18, s17, $0x38;
	[tilespmem:$0x1B700] =	vst v63  }
0x76: {  	s16 =	sshll.u32 @!p0 s0, $0x8  }
0x77: {  	s0 =	sshllo.u32 s31, $0x1;
	s16 =	sand.u32 @!p0 $0x1FFFFF00, s16  }
0x78: {  	s17 =	simm.s32 @!p0 $0x0;
	s18 =	simm.s32 @!p0 $0x19700;
	s16 =	sadd.s32 @!p0 s2, s16  }
0x79: {  	[tilespmem:s18], [sflag:$0x4] =	stream.linear.gather @!p0 [hbm4b:s16+s17], $0x800, $0x38;
	[tilespmem:$0x1B700] =	vst v63  }
0x7a: {  	p0 =	sge.u32 s0, s8  }
.Ltmp6:
0x7b: {  	_ = 	snop;
	(pc) =	sbr.rel @p0 .LBB2_10-.Ltmp6, $1  }
0x7c: {  	_ =	sdelay $0x3  }
0x7d: {  	_ =	swait.ge [sflag:s24], $0x800  }
0x7e: {  	[sflag:s24] =	ssyncset.done $0x0  }
0x7f: {  	[sflag:s24] =	ssyncadd.s32 $0xFFFFF800  }
0x80: {  	_ =	swait.ge [sflag:s25], $0x800  }
0x81: {  	p0 =	seq.s32 s31, $0x0;
	[sflag:s25] =	ssyncset.done $0x0  }
0x82: {  	s16 =	simm.s32 @!p0 $0x7;
	[sflag:s25] =	ssyncadd.s32 $0xFFFFF800  }
0x83: {  	_ =	swait.ge @!p0 [sflag:s16], $0x800  }
0x84: {  	s17 =	simm.s32 $0x18F40;
	s18 =	simm.s32 $0x19F40;
	[sflag:s16] =	ssyncset.done @!p0 $0x0  }
0x85: {  	s19 =	simm.s32 $0x1AF40;
	[sflag:s16] =	ssyncadd.s32 @!p0 $0xFFFFF800;
	s16 =	simm.s32 $0xFFFFFFF8  }
.LBB2_8:
0x86: {  	v0 =	vld [tilespmem:s17+$0xFFFFFFC0];
	_ =	sdelay $0x6  }
0x87: {  	v1 =	vld [tilespmem:s18+$0xFFFFFFC0]  }
0x88: {  	v0 =	vld.idx.msk [tilespmem:v0+s5+$0x0], $0xffff;
	_ =	sdelay $0x4  }
0x89: {  	v0 =	vmul.f32 v0, v1;
	_ =	sdelay $0x1  }
0x8a: {  	[tilespmem:s19+$0xFFFFFFC0] =	vst v0  }
0x8b: {  	v0 =	vld [tilespmem:s17+$0xFFFFFFD0];
	_ =	sdelay $0x6  }
0x8c: {  	v57 =	vld [tilespmem:s18+$0xFFFFFFD0]  }
0x8d: {  	v0 =	vld.idx.msk [tilespmem:v0+s5+$0x0], $0xffff;
	_ =	sdelay $0x4  }
0x8e: {  	v0 =	vmul.f32 v0, v57;
	_ =	sdelay $0x1  }
0x8f: {  	[tilespmem:s19+$0xFFFFFFD0] =	vst v0  }
0x90: {  	v0 =	vld [tilespmem:s17+$0xFFFFFFE0];
	_ =	sdelay $0x6  }
0x91: {  	v58 =	vld [tilespmem:s18+$0xFFFFFFE0]  }
0x92: {  	v0 =	vld.idx.msk [tilespmem:v0+s5+$0x0], $0xffff;
	_ =	sdelay $0x4  }
0x93: {  	v0 =	vmul.f32 v0, v58;
	_ =	sdelay $0x1  }
0x94: {  	[tilespmem:s19+$0xFFFFFFE0] =	vst v0  }
0x95: {  	v0 =	vld [tilespmem:s17+$0xFFFFFFF0];
	_ =	sdelay $0x6  }
0x96: {  	v59 =	vld [tilespmem:s18+$0xFFFFFFF0]  }
0x97: {  	v0 =	vld.idx.msk [tilespmem:v0+s5+$0x0], $0xffff;
	_ =	sdelay $0x4  }
0x98: {  	v0 =	vmul.f32 v0, v59;
	_ =	sdelay $0x1  }
0x99: {  	[tilespmem:s19+$0xFFFFFFF0] =	vst v0  }
0x9a: {  	v0 =	vld [tilespmem:s17+$0x0];
	_ =	sdelay $0x6  }
0x9b: {  	v60 =	vld [tilespmem:s18+$0x0]  }
0x9c: {  	v0 =	vld.idx.msk [tilespmem:v0+s5+$0x0], $0xffff;
	_ =	sdelay $0x4  }
0x9d: {  	v0 =	vmul.f32 v0, v60;
	_ =	sdelay $0x1  }
0x9e: {  	[tilespmem:s19+$0x0] =	vst v0  }
0x9f: {  	v0 =	vld [tilespmem:s17+$0x10];
	_ =	sdelay $0x6  }
0xa0: {  	v61 =	vld [tilespmem:s18+$0x10]  }
0xa1: {  	v0 =	vld.idx.msk [tilespmem:v0+s5+$0x0], $0xffff;
	_ =	sdelay $0x4  }
0xa2: {  	v0 =	vmul.f32 v0, v61;
	_ =	sdelay $0x1  }
0xa3: {  	[tilespmem:s19+$0x10] =	vst v0  }
0xa4: {  	v0 =	vld [tilespmem:s17+$0x20];
	_ =	sdelay $0x6  }
0xa5: {  	v62 =	vld [tilespmem:s18+$0x20]  }
0xa6: {  	v0 =	vld.idx.msk [tilespmem:v0+s5+$0x0], $0xffff;
	_ =	sdelay $0x4  }
0xa7: {  	v0 =	vmul.f32 v0, v62;
	_ =	sdelay $0x1  }
0xa8: {  	[tilespmem:s19+$0x20] =	vst v0  }
0xa9: {  	v0 =	vld [tilespmem:s17+$0x30];
	_ =	sdelay $0x6  }
0xaa: {  	v63 =	vld [tilespmem:s18+$0x30]  }
0xab: {  	v0 =	vld.idx.msk [tilespmem:v0+s5+$0x0], $0xffff  }
0xac: {  	s16 =	sadd.s32 $0x8, s16  }
0xad: {  	p0 =	slt.u32 s16, $0x78  }
.Ltmp7:
0xae: {  	_ = 	snop;
	(pc) =	sbr.rel @p0 .LBB2_8-.Ltmp7, $3  }
0xaf: {  	_ = 	snop  }
0xb0: {  	v0 =	vmul.f32 v0, v63;
	_ =	sdelay $0x1  }
0xb1: {  	s17 =	sadd.s32 $0x80, s17;
	s18 =	sadd.s32 $0x80, s18;
	[tilespmem:s19+$0x30] =	vst v0;
	s19 =	sadd.s32 $0x80, s19  }
.Ltmp8:
0xb2: {  	s0 =	sadd.s32 s7, s0;
	(pc) =	sbr.rel .LBB2_10-.Ltmp8, $4  }
0xb3: {  	s0 =	sshll.u32 s0, $0x8  }
0xb4: {  	s0 =	sand.u32 $0x1FFFFF00, s0  }
0xb5: {  	s0 =	sadd.s32 s4, s0  }
0xb6: {  	[hbm4b:s0+s5] =	stream.linear.scatter [tilespmem:s26], [sflag:$0x7], $0x800, $0x38;
	[tilespmem:$0x1B700] =	vst v63  }
.LBB2_12:
0xb7: {  	_ =	sfence.sel $0x180000  }
0xb8: {  	[bflag:$0x0] =	sbarrier.arrive $0xFFFF  }
0xb9: {  	_ =	strace $0x9000004A  }
0xba: {  	s0 =	stileid.u32;
	[bflag:$0x2] =	sbarrier.arrive $0xFFFF  }
0xbb: {  	p0 =	sne.s32 s0, $0x0;
	s0 =	rddreg [dreg:$0x4]  }
0xbc: {  	s0 =	sadd.s32 @!p0 $0x100000, s0  }
0xbd: {  	[sflag:s0] =	ssyncadd.tile.s32 @!p0 $0x1;
	_ =	shalt  }
.Lfunc_end2:
_tile_overlayer_lowered:
.L_overlay_start_2:
0xbe: {  	(tag) =	ssettag $0x2  }
0xbf: {  	s0 =	rddreg [dreg:$0x0];
	s2 =	stileid.u32  }
0xc0: {  	s1 =	rddreg [dreg:$0x1];
	p0 =	sne.s32 s2, $0x0  }
0xc1: {  	s3 =	rddreg [dreg:$0x2];
	[bflag:$0x3] =	sbarrier.arrive $0xFFFF;
	s2 =	simm.s32 @!p0 $0x1C08  }
0xc2: {  	[timem:s3], [sflag:s2] =	dma.local @!p0 [hbm:s0], s1  }
0xc3: {  	s0 =	simm.s32 @!p0 $0x8  }
0xc4: {  	_ =	swait.ge @!p0 [sflag:s0], s1  }
0xc5: {  	s1 =	ssub.s32 @!p0 $0x0, s1;
	[sflag:s0] =	ssyncset.done @!p0 $0x0  }
0xc6: {  	[sflag:s0] =	ssyncadd.s32 @!p0 s1  }
0xc7: {  	[bflag:$0x3] =	sbarrier.arrive $0xFFFF  }
0xc8: {  	_ =	shalt  }

// kernel: kernel.13.cloned.1.call-start
scs
__scs_entry_jumppad:
0x0: {  	(pc) =	sbr.rel $0x88, $3  }
0x1: {  	(tag) =	ssettag $0x0;
	lr =	simm.s32 $0x1  }
0x2: {  	[smem:$0x3F9B] =	sst lr;
	_ =	strace $0xD0000000  }
0x3: {  	_ = 	snop  }
0x4: {  	_ = 	snop  }
0x5: {  	_ = 	snop  }
0x6: {  	_ = 	snop  }
0x7: {  	_ = 	snop  }
__scs_overlays_trampoline_lowered:
0x8: {  	[smem:$0x3FAA] =	sst s0  }
0x9: {  	[smem:$0x3FAB] =	sst s1  }
0xa: {  	[smem:$0x3FAC] =	sst s2  }
0xb: {  	[smem:$0x3FAD] =	sst s3  }
0xc: {  	[smem:$0x3FAE] =	sst s4  }
0xd: {  	[smem:$0x3FAF] =	sst s5  }
0xe: {  	[smem:$0x3FB0] =	sst s6  }
0xf: {  	[smem:$0x3FB1] =	sst s7  }
0x10: {  	[smem:$0x3FB2] =	sst s8  }
0x11: {  	[smem:$0x3FB3] =	sst s9;
	s0 =	simm.s32 @!p0 $0x0  }
0x12: {  	s1 =	sld [smem:$0x3F99];
	s0 =	simm.s32 @p0 $0x1  }
0x13: {  	[smem:$0x3FB4] =	sst s0;
	s0 =	simm.s32 @!p1 $0x0  }
0x14: {  	s2 =	sld [smem:$0x3F98];
	s0 =	simm.s32 @p1 $0x1  }
0x15: {  	[smem:$0x3FB5] =	sst s0;
	s0 =	simm.s32 @!p2 $0x0  }
0x16: {  	s3 =	sld [smem:$0x3FDB];
	s0 =	simm.s32 @p2 $0x1  }
0x17: {  	s4 =	simm.s32 $0x1BF5;
	[smem:$0x3FB7] =	sst s0  }
0x18: {  	s0 =	sld [smem:$0x3F9A];
	_ =	swait.ge [sflag:s4], $0x0  }
0x19: {  	s7 =	sld [smem:$0x3F9B]  }
0x1a: {  	s8 =	sadd.s32 $0xFFFFE003, lr  }
0x1b: {  	s9 =	sadd.s32 $0xFFFFFEF7, lr;
	s5 =	simm.s32 $0xFFFFFFFF;
	p2 =	slt.u32 s8, $0xFFFFF086  }
0x1c: {  	p1 =	slt.u32 s9, $0xF7A;
	s5 =	simm.s32 @!p2 $0x0  }
0x1d: {  	s5 =	simm.s32 @p1 $0x1;
	p0 =	seq.s32 s7, s2  }
0x1e: {  	s7 =	smul.u32 @!p0 $0xF7A, s2;
	p2 =	seq.s32 @!p0 s5, $0x0  }
0x1f: {  	s9 =	smul.u32 $0xF7A, s1;
	s8 =	simm.s32 @!p0 $0x1BF5;
	p2 =	por !p2, p0  }
0x20: {  	[sflag:s8] =	ssyncset.s32 @!p0 $0xFFFFF086;
	s6 =	sadd.s32 @!p0 s3, s7;
	s7 =	simm.s32 @!p0 $0x108  }
0x21: {  	s3 =	sadd.s32 s3, s9;
	s6 =	sadd.s32 @!p0 $0x88, s6;
	s7 =	simm.s32 @p2 $0x1082  }
0x22: {  	[simem:s7], [sflag:s8] =	dma.local @!p0 [hbm:s6], $0xF7A  }
0x23: {  	s9 =	sor.u32 $0xD0000000, s2;
	s6 =	simm.s32 $0x108;
	_ =	swait.ge @!p0 [sflag:s8], $0x0  }
0x24: {  	s3 =	sadd.s32 $0x88, s3;
	s6 =	simm.s32 @!p1 $0x1082;
	[sflag:s4] =	ssyncset.s32 $0xFFFFF086  }
0x25: {  	[simem:s6], [sflag:s4] =	dma.local [hbm:s3], $0xF7A  }
0x26: {  	[smem:$0x3F9B] =	sst s1;
	(tag) =	ssettag s2;
	_ =	strace s9  }
0x27: {  	s1 =	sld [smem:$0x3FAB]  }
0x28: {  	s2 =	sld [smem:$0x3FAC]  }
0x29: {  	s4 =	sld [smem:$0x3FAE]  }
0x2a: {  	p0 =	seq.s32 s5, $0x0;
	s5 =	sld [smem:$0x3FAF]  }
0x2b: {  	s6 =	sld [smem:$0x3FB0]  }
0x2c: {  	s7 =	sld [smem:$0x3FB1]  }
0x2d: {  	s3 =	simm.s32 $0x108;
	s8 =	sld [smem:$0x3FB2]  }
0x2e: {  	s3 =	simm.s32 @!p0 $0x1082;
	s9 =	sld [smem:$0x3FB3]  }
0x2f: {  	lr =	sadd.s32 s0, s3;
	s0 =	sld [smem:$0x3FAA]  }
0x30: {  	s3 =	sld [smem:$0x3FAD]  }
0x31: {  	[smem:$0x3FB6] =	sst s10  }
0x32: {  	s10 =	sld [smem:$0x3FB4];
	_ =	sdelay $0x3  }
0x33: {  	p0 =	seq.s32 s10, $0x1;
	s10 =	sld [smem:$0x3FB6];
	_ =	sdelay $0x3  }
0x34: {  	[smem:$0x3FB6] =	sst s10  }
0x35: {  	s10 =	sld [smem:$0x3FB5];
	_ =	sdelay $0x3  }
0x36: {  	p1 =	seq.s32 s10, $0x1;
	s10 =	sld [smem:$0x3FB6];
	_ =	sdelay $0x3  }
0x37: {  	[smem:$0x3FB6] =	sst s10  }
0x38: {  	s10 =	sld [smem:$0x3FB7]  }
0x39: {  	_ = 	snop;
	(pc) =	sbr.ind lr, $3  }
0x3a: {  	_ = 	snop  }
0x3b: {  	_ = 	snop  }
0x3c: {  	p2 =	seq.s32 s10, $0x1;
	s10 =	sld [smem:$0x3FB6]  }
0x3d: {  	_ =	shalt  }
0x3e: {  	_ =	shalt  }
0x3f: {  	_ =	shalt  }
0x40: {  	_ =	shalt  }
0x41: {  	_ =	shalt  }
0x42: {  	_ =	shalt  }
0x43: {  	_ =	shalt  }
0x44: {  	_ =	shalt  }
0x45: {  	_ =	shalt  }
0x46: {  	_ =	shalt  }
0x47: {  	_ =	shalt  }
0x48: {  	_ =	shalt  }
0x49: {  	_ =	shalt  }
0x4a: {  	_ =	shalt  }
0x4b: {  	_ =	shalt  }
0x4c: {  	_ =	shalt  }
0x4d: {  	_ =	shalt  }
0x4e: {  	_ =	shalt  }
0x4f: {  	_ =	shalt  }
0x50: {  	_ =	shalt  }
0x51: {  	_ =	shalt  }
0x52: {  	_ =	shalt  }
0x53: {  	_ =	shalt  }
0x54: {  	_ =	shalt  }
0x55: {  	_ =	shalt  }
0x56: {  	_ =	shalt  }
0x57: {  	_ =	shalt  }
0x58: {  	_ =	shalt  }
0x59: {  	_ =	shalt  }
0x5a: {  	_ =	shalt  }
0x5b: {  	_ =	shalt  }
0x5c: {  	_ =	shalt  }
0x5d: {  	_ =	shalt  }
0x5e: {  	_ =	shalt  }
0x5f: {  	_ =	shalt  }
0x60: {  	_ =	shalt  }
0x61: {  	_ =	shalt  }
0x62: {  	_ =	shalt  }
0x63: {  	_ =	shalt  }
0x64: {  	_ =	shalt  }
0x65: {  	_ =	shalt  }
0x66: {  	_ =	shalt  }
0x67: {  	_ =	shalt  }
0x68: {  	_ =	shalt  }
0x69: {  	_ =	shalt  }
0x6a: {  	_ =	shalt  }
0x6b: {  	_ =	shalt  }
0x6c: {  	_ =	shalt  }
0x6d: {  	_ =	shalt  }
0x6e: {  	_ =	shalt  }
0x6f: {  	_ =	shalt  }
0x70: {  	_ =	shalt  }
0x71: {  	_ =	shalt  }
0x72: {  	_ =	shalt  }
0x73: {  	_ =	shalt  }
0x74: {  	_ =	shalt  }
0x75: {  	_ =	shalt  }
0x76: {  	_ =	shalt  }
0x77: {  	_ =	shalt  }
0x78: {  	_ =	shalt  }
0x79: {  	_ =	shalt  }
0x7a: {  	_ =	shalt  }
0x7b: {  	_ =	shalt  }
0x7c: {  	_ =	shalt  }
0x7d: {  	_ =	shalt  }
0x7e: {  	_ =	shalt  }
0x7f: {  	_ =	shalt  }
0x80: {  	_ =	shalt  }
0x81: {  	_ =	shalt  }
0x82: {  	_ =	shalt  }
0x83: {  	_ =	shalt  }
0x84: {  	_ =	shalt  }
0x85: {  	_ =	shalt  }
0x86: {  	_ =	shalt  }
0x87: {  	_ =	shalt  }
.Lfunc_end0:
.L_simem_size_0:
called_computation.2_lowered:
.L_overlay_start_0:
0x88: {  	s2 =	sld [smem:$0x3FD9]  }
0x89: {  	s3 =	sld [smem:$0x3FFE];
	_ =	sdelay $0x1  }
0x8a: {  	s1 =	srdreg.scid  }
0x8b: {  	s0 =	sand.u32 $0x1, s1  }
0x8c: {  	s17 =	sshll.u32 s0, $0xA;
	s2 =	sadd.s32 s3, s2  }
0x8d: {  	s2 =	sadd.s32 s2, s17  }
0x8e: {  	[smem:$0x3FC2] =	sst s2  }
0x8f: {  	_ = 	snop  }
0x90: {  	s2 =	sld [smem:$0x3FC8]  }
0x91: {  	s18 =	sld [smem:$0x3FD0];
	(tm) =	ssettm $0x1  }
0x92: {  	s4 =	sld [smem:$0x3FFB];
	_ =	sdelay $0x3  }
0x93: {  	_ =	strace s4  }
0x94: {  	s4 =	sld [smem:$0x3FFC];
	_ =	sdelay $0x3  }
0x95: {  	_ =	strace s4  }
0x96: {  	s4 =	sld [smem:$0x3FFD];
	_ =	sdelay $0x3  }
0x97: {  	_ =	strace s4  }
0x98: {  	_ =	strace $0x8FFFFFFF  }
0x99: {  	s19 =	sld [smem:$0x3FDB];
	_ =	sdelay $0x1  }
0x9a: {  	s5 =	simm.s32 $_scs_section_size  }
0x9b: {  	s6 =	simm.s32 $_size__tile_overlayer_lowered;
	s7 =	simm.s32 $_tile_overlayer_lowered  }
0x9c: {  	s22 =	simm.s32 $0x1BFF;
	s21 =	sshll.u32 s7, $0x1;
	s4 =	sadd.s32 s5, s19  }
0x9d: {  	s8 =	simm.s32 $0x0;
	s20 =	sshll.u32 s6, $0x1;
	s6 =	sadd.s32 s21, s4  }
0x9e: {  	[timem:s8], [sflag:s22] =	dma.local [hbm:s6], s20  }
0x9f: {  	_ =	swait.ge [sflag:s22], s20  }
0xa0: {  	s5 =	ssub.s32 $0x0, s20;
	[sflag:s22] =	ssyncset.done $0x0  }
0xa1: {  	[sflag:s22] =	ssyncadd.s32 s5;
	_ =	sdelay $0x1  }
0xa2: {  	s23 =	simm.s32 $0x1B8B  }
0xa3: {  	_ =	swait.ge [sflag:s23], $0x1  }
0xa4: {  	[sflag:s23] =	ssyncset.done $0x0  }
0xa5: {  	s25 =	simm.s32 $0x1B8E;
	s24 =	sld [smem:$0x3FFE];
	[sflag:s23] =	ssyncadd.s32 $0xFFFFFFFF  }
0xa6: {  	s26 =	simm.s32 $execute0_lowered;
	[smem:$0x3FD2] =	sst s25  }
0xa7: {  	s6 =	sshll.u32 s26, $0x1;
	_ =	strace $0x8000004C;
	[dreg:$0x1] =	wrdreg $0xFFFFFFFF  }
0xa8: {  	s28 =	simm.s32 $_size_execute0_lowered;
	s4 =	sadd.s32 s4, s6;
	[dreg:$0x0] =	wrdreg $0x0  }
0xa9: {  	s6 =	sshll.u32 s28, $0x1;
	[dreg:$0x2] =	wrdreg s4  }
0xaa: {  	[dreg:$0x3] =	wrdreg s6  }
0xab: {  	[dreg:$0x4] =	wrdreg $0xC0  }
0xac: {  	_ =	task [dreg:s8], $0x5FFFF  }
0xad: {  	[dreg:$0x1] =	wrdreg $0xFFFFFFFF  }
0xae: {  	[dreg:$0x0] =	wrdreg $0x60  }
0xaf: {  	[dreg:$0x2] =	wrdreg s2  }
0xb0: {  	[dreg:$0x3] =	wrdreg s18  }
0xb1: {  	[dreg:$0x4] =	wrdreg s24  }
0xb2: {  	[dreg:$0x5] =	wrdreg $0x9  }
0xb3: {  	_ =	task.clear_ibuf [dreg:s8], $0x6FFFF;
	_ =	strace $0x9000004C  }
0xb4: {  	s29 =	simm.s32 $0x9;
	_ =	strace $0x8000004E  }
0xb5: {  	_ =	swait.ge [sflag:s29], $0x1  }
0xb6: {  	[sflag:s29] =	ssyncadd.s32 $0xFFFFFFFF  }
0xb7: {  	_ =	strace $0x9000004E  }
0xb8: {  	_ =	sfence  }
0xb9: {  	s30 =	sld [smem:$0x0];
	_ =	sdelay $0x2  }
0xba: {  	s31 =	sshll.u32 s1, $0xD;
	s1 =	sshrl.u32 s1, $0x2  }
0xbb: {  	s3 =	sand.u32 $0x4000, s31;
	s1 =	sadd.s32 s1, s30  }
0xbc: {  	s0 =	sor.u32 s3, s0;
	s1 =	sshll.u32 s1, $0x11  }
0xbd: {  	s0 =	sor.u32 s1, s0  }
0xbe: {  	s0 =	sadd.s32 $0x8F2B, s0  }
0xbf: {  	[sflag:s0] =	ssyncadd.remote.s32 $0x1  }
0xc0: {  	_ =	sfence.sel $0xFFFF  }
0xc1: {  	[dreg:$0x0] =	wrdreg $0xFFFFFFFF;
	(pc) =	sbr.abs _section_cstart, $3  }
0xc2: {  	[dreg:$0x1] =	wrdreg $0xFFFFFFFF  }
0xc3: {  	_ =	task.clear_ibuf [dreg:s8], $0x2FFFF;
	_ =	strace $0x9FFFFFFF  }
0xc4: {  	(tm) =	ssettm $0x7FFFFFFF  }
0xc5: {  	_ =	shalt  }
tec
execute0_lowered:
.L_overlay_start_1:
0x0: {  	(tag) =	ssettag $0x1  }
0x1: {  	s1 =	rddreg [dreg:$0x0]  }
0x2: {  	s3 =	rddreg [dreg:$0x1];
	s2 =	srdreg.scid  }
0x3: {  	s0 =	stileid.u32;
	s5 =	rddreg [dreg:$0x2]  }
0x4: {  	s4 =	simm.s32 $0x0;
	s14 =	simm.s32 $0x18700;
	s15 =	simm.s32 $0x1A700  }
0x5: {  	s16 =	simm.s32 $0x19700;
	s17 =	simm.s32 $0x1AF00;
	s18 =	simm.s32 $0x1  }
0x6: {  	s19 =	simm.s32 $0x3;
	s20 =	simm.s32 $0x2;
	s21 =	simm.s32 $0x4  }
0x7: {  	s22 =	simm.s32 $0x5;
	s6 =	sand.u32 $0x1, s2;
	s7 =	sshll.u32 s0, $0x1  }
0x8: {  	s23 =	simm.s32 $0x0;
	s2 =	rddreg [dreg:$0x3];
	s7 =	sor.u32 s6, s7  }
0x9: {  	[smem:$0x7FF] =	sst s4;
	s6 =	ssub.s32 $0x2, s6;
	s8 =	smul.u32 $0x30E0, s7  }
0xa: {  	_ =	strace $0x8000004D;
	s9 =	sshrl.u32 s6, $0x1;
	s10 =	smul.u32 $0x61, s7  }
0xb: {  	s25 =	smin.u32 s7, $0x15;
	p0 =	slt.u32 s7, $0x15;
	s13 =	ssub.s32 s6, s9  }
0xc: {  	s6 =	simm.s32 $0x62;
	s12 =	sadd.s32 s8, s5;
	s5 =	sadd.s32 s25, s10  }
.Ltmp0:
0xd: {  	s6 =	simm.s32 @!p0 $0x61;
	s13 =	smax.u32 s13, $0x1;
	(pc) =	sbr.rel .LBB2_1-.Ltmp0, $4  }
0xe: {  	s26 =	sshll.u32 s5, $0x9;
	s28 =	sshll.u32 s5, $0xB;
	s29 =	sshll.u32 s5, $0x8  }
0xf: {  	s11 =	sadd.s32 $0xFFFFFFFF, s6;
	s12 =	sadd.s32 $0x4E00, s12;
	s30 =	sadd.s32 $0x800, s28  }
0x10: {  	s7 =	sadd.s32 s1, s26;
	s31 =	sshrl.u32 s30, $0x2;
	s10 =	sshrl.u32 s30, $0x3  }
0x11: {  	v0 =	vimm.f32 $0.0e+00;
	s8 =	sadd.s32 s3, s29;
	s9 =	sadd.s32 s1, s31;
	s10 =	sadd.s32 s3, s10  }
.LBB2_11:
0x12: {  	s23 =	sadd.s32 $0x1, s23  }
0x13: {  	p0 =	sne.s32 s23, s13  }
.Ltmp1:
0x14: {  	_ = 	snop;
	(pc) =	sbr.rel @!p0 .LBB2_12-.Ltmp1, $4  }
0x15: {  	[hbm4b:s12+s4] =	stream.linear.scatter [tilespmem:s4], [sflag:$0x5], $0x18700, $0x38;
	[tilespmem:$0x1B700] =	vst v63  }
0x16: {  	_ =	swait.ge [sflag:s22], $0x18700  }
0x17: {  	[sflag:s22] =	ssyncset.done $0x0  }
0x18: {  	[sflag:s22] =	ssyncadd.s32 $0xFFFE7900  }
.LBB2_1:
0x19: {  	s24 =	simm.s32 $0x40  }
0x1a: {  	[tilespmem:s24+$0xFFFFFFC0] =	vst v0  }
0x1b: {  	[tilespmem:s24+$0x30] =	vst v0  }
0x1c: {  	[tilespmem:s24+$0x20] =	vst v0  }
0x1d: {  	[tilespmem:s24+$0x10] =	vst v0  }
0x1e: {  	[tilespmem:s24+$0x0] =	vst v0  }
0x1f: {  	[tilespmem:s24+$0xFFFFFFF0] =	vst v0  }
0x20: {  	s25 =	simm.s32 $0x0;
	[tilespmem:s24+$0xFFFFFFE0] =	vst v0  }
.LBB2_2:
0x21: {  	s25 =	sadd.s32 $0x8, s25;
	[tilespmem:s24+$0xFFFFFFD0] =	vst v0;
	s24 =	sadd.s32 $0x80, s24  }
0x22: {  	[tilespmem:s24+$0xFFFFFFC0] =	vst v0;
	p0 =	slt.u32 s25, $0x1868  }
0x23: {  	[tilespmem:s24+$0x30] =	vst v0  }
.Ltmp2:
0x24: {  	[tilespmem:s24+$0x20] =	vst v0;
	(pc) =	sbr.rel @p0 .LBB2_2-.Ltmp2, $4  }
0x25: {  	[tilespmem:s24+$0x10] =	vst v0  }
0x26: {  	[tilespmem:s24+$0x0] =	vst v0  }
0x27: {  	[tilespmem:s24+$0xFFFFFFF0] =	vst v0  }
0x28: {  	[tilespmem:s24+$0xFFFFFFE0] =	vst v0  }
0x29: {  	[tilespmem:s24+$0xFFFFFFD0] =	vst v0;
	s24 =	simm.s32 $0x0  }
0x2a: {  	[tilespmem:s14], [sflag:$0x1] =	stream.linear.gather [hbm4b:s7+s24], $0x1000, $0x38;
	[tilespmem:$0x1B700] =	vst v63  }
0x2b: {  	_ = 	snop  }
0x2c: {  	[tilespmem:s15], [sflag:$0x3] =	stream.linear.gather [hbm4b:s8+s24], $0x800, $0x38;
	[tilespmem:$0x1B700] =	vst v63  }
.Ltmp3:
0x2d: {  	_ = 	snop;
	(pc) =	sbr.rel .LBB2_4-.Ltmp3, $4  }
0x2e: {  	_ = 	snop  }
0x2f: {  	[tilespmem:s16], [sflag:$0x2] =	stream.linear.gather [hbm4b:s9+s24], $0x1000, $0x38;
	[tilespmem:$0x1B700] =	vst v63  }
0x30: {  	_ = 	snop  }
0x31: {  	[tilespmem:s17], [sflag:$0x4] =	stream.linear.gather [hbm4b:s10+s24], $0x800, $0x38;
	[tilespmem:$0x1B700] =	vst v63  }
.LBB2_10:
0x32: {  	s25 =	sadd.s32 $0x3, s25  }
0x33: {  	p0 =	sge.u32 s25, s6  }
0x34: {  	s25 =	sadd.s32 @!p0 s5, s25  }
0x35: {  	s26 =	sshll.u32 @!p0 s25, $0x9  }
0x36: {  	s28 =	simm.s32 @!p0 $0x0;
	s25 =	sshll.u32 @!p0 s25, $0x8;
	s26 =	sand.u32 @!p0 $0x1FFFFE00, s26  }
0x37: {  	s29 =	simm.s32 @!p0 $0x19700;
	s25 =	sand.u32 @!p0 $0x1FFFFF00, s25;
	s26 =	sadd.s32 @!p0 s1, s26  }
0x38: {  	[tilespmem:s29], [sflag:$0x2] =	stream.linear.gather @!p0 [hbm4b:s26+s28], $0x1000, $0x38;
	[tilespmem:$0x1B700] =	vst v63  }
0x39: {  	s24 =	sadd.s32 $0x1, s24;
	s25 =	sadd.s32 @!p0 s3, s25;
	s26 =	simm.s32 @!p0 $0x1AF00  }
0x3a: {  	[tilespmem:s26], [sflag:$0x4] =	stream.linear.gather @!p0 [hbm4b:s25+s28], $0x800, $0x38;
	[tilespmem:$0x1B700] =	vst v63  }
0x3b: {  	p0 =	sne.s32 s24, $0x31  }
.Ltmp4:
0x3c: {  	_ = 	snop;
	(pc) =	sbr.rel @!p0 .LBB2_11-.Ltmp4, $1  }
0x3d: {  	_ =	sdelay $0x3  }
.LBB2_4:
0x3e: {  	s25 =	sshll.u32 s24, $0x1  }
0x3f: {  	p0 =	sge.u32 s25, s6  }
.Ltmp5:
0x40: {  	_ = 	snop;
	(pc) =	sbr.rel @p0 .LBB2_7-.Ltmp5, $1  }
0x41: {  	_ =	sdelay $0x3  }
0x42: {  	_ =	swait.ge [sflag:s18], $0x1000  }
0x43: {  	[sflag:s18] =	ssyncset.done $0x0  }
0x44: {  	[sflag:s18] =	ssyncadd.s32 $0xFFFFF000  }
0x45: {  	_ =	swait.ge [sflag:s19], $0x800  }
0x46: {  	s26 =	simm.s32 $0xFFFFFFF8;
	[sflag:s19] =	ssyncset.done $0x0  }
0x47: {  	s28 =	simm.s32 $0x187F0;
	s29 =	simm.s32 $0x1A740;
	[sflag:s19] =	ssyncadd.s32 $0xFFFFF800  }
.LBB2_6:
0x48: {  	v1 =	vld [tilespmem:s28+$0xFFFFFF90];
	_ =	sdelay $0x2  }
0x49: {  	v2 =	vld [tilespmem:s29+$0xFFFFFFC0];
	_ =	sdelay $0x4  }
0x4a: {  	[tilespmem:v1+s4+$0x0] =	vst.idx.add.f32.msk $0xffff, v2  }
0x4b: {  	v1 =	vld [tilespmem:s28+$0xFFFFFFA0];
	_ =	sdelay $0x2  }
0x4c: {  	v2 =	vld [tilespmem:s29+$0xFFFFFFD0];
	_ =	sdelay $0x4  }
0x4d: {  	[tilespmem:v1+s4+$0x0] =	vst.idx.add.f32.msk $0xffff, v2  }
0x4e: {  	v1 =	vld [tilespmem:s28+$0xFFFFFFB0];
	_ =	sdelay $0x2  }
0x4f: {  	v2 =	vld [tilespmem:s29+$0xFFFFFFE0];
	_ =	sdelay $0x4  }
0x50: {  	[tilespmem:v1+s4+$0x0] =	vst.idx.add.f32.msk $0xffff, v2  }
0x51: {  	v1 =	vld [tilespmem:s28+$0xFFFFFFC0];
	_ =	sdelay $0x2  }
0x52: {  	v2 =	vld [tilespmem:s29+$0xFFFFFFF0];
	_ =	sdelay $0x4  }
0x53: {  	[tilespmem:v1+s4+$0x0] =	vst.idx.add.f32.msk $0xffff, v2  }
0x54: {  	v1 =	vld [tilespmem:s28+$0xFFFFFFD0];
	_ =	sdelay $0x2  }
0x55: {  	v2 =	vld [tilespmem:s29+$0x0];
	_ =	sdelay $0x4  }
0x56: {  	[tilespmem:v1+s4+$0x0] =	vst.idx.add.f32.msk $0xffff, v2  }
0x57: {  	v1 =	vld [tilespmem:s28+$0xFFFFFFE0];
	_ =	sdelay $0x2  }
0x58: {  	v2 =	vld [tilespmem:s29+$0x10];
	_ =	sdelay $0x4  }
0x59: {  	[tilespmem:v1+s4+$0x0] =	vst.idx.add.f32.msk $0xffff, v2  }
0x5a: {  	v1 =	vld [tilespmem:s28+$0xFFFFFFF0];
	_ =	sdelay $0x2  }
0x5b: {  	v2 =	vld [tilespmem:s29+$0x20];
	_ =	sdelay $0x4  }
0x5c: {  	[tilespmem:v1+s4+$0x0] =	vst.idx.add.f32.msk $0xffff, v2  }
0x5d: {  	v1 =	vld [tilespmem:s28+$0x0];
	_ =	sdelay $0x1  }
0x5e: {  	s26 =	sadd.s32 $0x8, s26  }
0x5f: {  	p0 =	slt.u32 s26, $0x78;
	v2 =	vld [tilespmem:s29+$0x30]  }
.Ltmp6:
0x60: {  	_ = 	snop;
	(pc) =	sbr.rel @p0 .LBB2_6-.Ltmp6, $2  }
0x61: {  	_ =	sdelay $0x2  }
0x62: {  	s28 =	sadd.s32 $0x100, s28;
	s29 =	sadd.s32 $0x80, s29;
	[tilespmem:v1+s4+$0x0] =	vst.idx.add.f32.msk $0xffff, v2  }
.LBB2_7:
0x63: {  	s26 =	sadd.s32 $0x2, s25  }
0x64: {  	p0 =	sge.u32 s26, s6  }
0x65: {  	s26 =	sadd.s32 @!p0 s5, s26  }
0x66: {  	s28 =	sshll.u32 @!p0 s26, $0x9  }
0x67: {  	s29 =	simm.s32 @!p0 $0x0;
	s26 =	sshll.u32 @!p0 s26, $0x8;
	s28 =	sand.u32 @!p0 $0x1FFFFE00, s28  }
0x68: {  	s30 =	simm.s32 @!p0 $0x18700;
	s26 =	sand.u32 @!p0 $0x1FFFFF00, s26;
	s28 =	sadd.s32 @!p0 s1, s28  }
0x69: {  	[tilespmem:s30], [sflag:$0x1] =	stream.linear.gather @!p0 [hbm4b:s28+s29], $0x1000, $0x38;
	[tilespmem:$0x1B700] =	vst v63  }
0x6a: {  	s26 =	sadd.s32 @!p0 s3, s26;
	s28 =	simm.s32 @!p0 $0x1A700  }
0x6b: {  	[tilespmem:s28], [sflag:$0x3] =	stream.linear.gather @!p0 [hbm4b:s26+s29], $0x800, $0x38;
	[tilespmem:$0x1B700] =	vst v63  }
0x6c: {  	p0 =	sge.u32 s25, s11  }
.Ltmp7:
0x6d: {  	_ = 	snop;
	(pc) =	sbr.rel @p0 .LBB2_10-.Ltmp7, $1  }
0x6e: {  	_ =	sdelay $0x3  }
0x6f: {  	_ =	swait.ge [sflag:s20], $0x1000  }
0x70: {  	[sflag:s20] =	ssyncset.done $0x0  }
0x71: {  	[sflag:s20] =	ssyncadd.s32 $0xFFFFF000  }
0x72: {  	_ =	swait.ge [sflag:s21], $0x800  }
0x73: {  	s26 =	simm.s32 $0xFFFFFFF8;
	[sflag:s21] =	ssyncset.done $0x0  }
0x74: {  	s28 =	simm.s32 $0x197F0;
	s29 =	simm.s32 $0x1AF40;
	[sflag:s21] =	ssyncadd.s32 $0xFFFFF800  }
.LBB2_9:
0x75: {  	v1 =	vld [tilespmem:s28+$0xFFFFFF90];
	_ =	sdelay $0x2  }
0x76: {  	v2 =	vld [tilespmem:s29+$0xFFFFFFC0];
	_ =	sdelay $0x4  }
0x77: {  	[tilespmem:v1+s4+$0x0] =	vst.idx.add.f32.msk $0xffff, v2  }
0x78: {  	v1 =	vld [tilespmem:s28+$0xFFFFFFA0];
	_ =	sdelay $0x2  }
0x79: {  	v2 =	vld [tilespmem:s29+$0xFFFFFFD0];
	_ =	sdelay $0x4  }
0x7a: {  	[tilespmem:v1+s4+$0x0] =	vst.idx.add.f32.msk $0xffff, v2  }
0x7b: {  	v1 =	vld [tilespmem:s28+$0xFFFFFFB0];
	_ =	sdelay $0x2  }
0x7c: {  	v2 =	vld [tilespmem:s29+$0xFFFFFFE0];
	_ =	sdelay $0x4  }
0x7d: {  	[tilespmem:v1+s4+$0x0] =	vst.idx.add.f32.msk $0xffff, v2  }
0x7e: {  	v1 =	vld [tilespmem:s28+$0xFFFFFFC0];
	_ =	sdelay $0x2  }
0x7f: {  	v2 =	vld [tilespmem:s29+$0xFFFFFFF0];
	_ =	sdelay $0x4  }
0x80: {  	[tilespmem:v1+s4+$0x0] =	vst.idx.add.f32.msk $0xffff, v2  }
0x81: {  	v1 =	vld [tilespmem:s28+$0xFFFFFFD0];
	_ =	sdelay $0x2  }
0x82: {  	v2 =	vld [tilespmem:s29+$0x0];
	_ =	sdelay $0x4  }
0x83: {  	[tilespmem:v1+s4+$0x0] =	vst.idx.add.f32.msk $0xffff, v2  }
0x84: {  	v1 =	vld [tilespmem:s28+$0xFFFFFFE0];
	_ =	sdelay $0x2  }
0x85: {  	v2 =	vld [tilespmem:s29+$0x10];
	_ =	sdelay $0x4  }
0x86: {  	[tilespmem:v1+s4+$0x0] =	vst.idx.add.f32.msk $0xffff, v2  }
0x87: {  	v1 =	vld [tilespmem:s28+$0xFFFFFFF0];
	_ =	sdelay $0x2  }
0x88: {  	v2 =	vld [tilespmem:s29+$0x20];
	_ =	sdelay $0x4  }
0x89: {  	[tilespmem:v1+s4+$0x0] =	vst.idx.add.f32.msk $0xffff, v2  }
0x8a: {  	v1 =	vld [tilespmem:s28+$0x0];
	_ =	sdelay $0x1  }
0x8b: {  	s26 =	sadd.s32 $0x8, s26  }
0x8c: {  	p0 =	slt.u32 s26, $0x78;
	v2 =	vld [tilespmem:s29+$0x30]  }
.Ltmp8:
0x8d: {  	_ = 	snop;
	(pc) =	sbr.rel @p0 .LBB2_9-.Ltmp8, $2  }
0x8e: {  	_ =	sdelay $0x2  }
0x8f: {  	s28 =	sadd.s32 $0x100, s28;
	s29 =	sadd.s32 $0x80, s29;
	[tilespmem:v1+s4+$0x0] =	vst.idx.add.f32.msk $0xffff, v2  }
.Ltmp9:
0x90: {  	_ = 	snop;
	(pc) =	sbr.rel .LBB2_10-.Ltmp9, $1  }
0x91: {  	_ =	sdelay $0x3  }
.LBB2_12:
0x92: {  	_ =	sfence.sel $0x180000  }
0x93: {  	[bflag:$0x0] =	sbarrier.arrive $0xFFFF  }
0x94: {  	p0 =	sne.s32 s0, $0x0;
	_ =	strace $0x9000004D  }
0x95: {  	s0 =	sadd.s32 @!p0 $0x100000, s2;
	[bflag:$0x2] =	sbarrier.arrive $0xFFFF  }
0x96: {  	[sflag:s0] =	ssyncadd.tile.s32 @!p0 $0x1;
	_ =	shalt  }
.Lfunc_end2:
_tile_overlayer_lowered:
.L_overlay_start_2:
0x97: {  	(tag) =	ssettag $0x2  }
0x98: {  	s0 =	rddreg [dreg:$0x0];
	s2 =	stileid.u32  }
0x99: {  	s1 =	rddreg [dreg:$0x1];
	p0 =	sne.s32 s2, $0x0  }
0x9a: {  	s3 =	rddreg [dreg:$0x2];
	[bflag:$0x3] =	sbarrier.arrive $0xFFFF;
	s2 =	simm.s32 @!p0 $0x1C05  }
0x9b: {  	[timem:s3], [sflag:s2] =	dma.local @!p0 [hbm:s0], s1  }
0x9c: {  	s0 =	simm.s32 @!p0 $0x5  }
0x9d: {  	_ =	swait.ge @!p0 [sflag:s0], s1  }
0x9e: {  	s1 =	ssub.s32 @!p0 $0x0, s1;
	[sflag:s0] =	ssyncset.done @!p0 $0x0  }
0x9f: {  	[sflag:s0] =	ssyncadd.s32 @!p0 s1  }
0xa0: {  	[bflag:$0x3] =	sbarrier.arrive $0xFFFF  }
0xa1: {  	_ =	shalt  }

// kernel: kernel.7.cloned.1.call-start
scs
__scs_entry_jumppad:
0x0: {  	(pc) =	sbr.rel $0x88, $3  }
0x1: {  	(tag) =	ssettag $0x0;
	lr =	simm.s32 $0x1  }
0x2: {  	[smem:$0x3F9B] =	sst lr;
	_ =	strace $0xD0000000  }
0x3: {  	_ = 	snop  }
0x4: {  	_ = 	snop  }
0x5: {  	_ = 	snop  }
0x6: {  	_ = 	snop  }
0x7: {  	_ = 	snop  }
__scs_overlays_trampoline_lowered:
0x8: {  	[smem:$0x3FAA] =	sst s0  }
0x9: {  	[smem:$0x3FAB] =	sst s1  }
0xa: {  	[smem:$0x3FAC] =	sst s2  }
0xb: {  	[smem:$0x3FAD] =	sst s3  }
0xc: {  	[smem:$0x3FAE] =	sst s4  }
0xd: {  	[smem:$0x3FAF] =	sst s5  }
0xe: {  	[smem:$0x3FB0] =	sst s6  }
0xf: {  	[smem:$0x3FB1] =	sst s7  }
0x10: {  	[smem:$0x3FB2] =	sst s8  }
0x11: {  	[smem:$0x3FB3] =	sst s9;
	s0 =	simm.s32 @!p0 $0x0  }
0x12: {  	s1 =	sld [smem:$0x3F99];
	s0 =	simm.s32 @p0 $0x1  }
0x13: {  	[smem:$0x3FB4] =	sst s0;
	s0 =	simm.s32 @!p1 $0x0  }
0x14: {  	s2 =	sld [smem:$0x3F98];
	s0 =	simm.s32 @p1 $0x1  }
0x15: {  	[smem:$0x3FB5] =	sst s0;
	s0 =	simm.s32 @!p2 $0x0  }
0x16: {  	s3 =	sld [smem:$0x3FDB];
	s0 =	simm.s32 @p2 $0x1  }
0x17: {  	s4 =	simm.s32 $0x1BF5;
	[smem:$0x3FB7] =	sst s0  }
0x18: {  	s0 =	sld [smem:$0x3F9A];
	_ =	swait.ge [sflag:s4], $0x0  }
0x19: {  	s7 =	sld [smem:$0x3F9B]  }
0x1a: {  	s8 =	sadd.s32 $0xFFFFE003, lr  }
0x1b: {  	s9 =	sadd.s32 $0xFFFFFEF7, lr;
	s5 =	simm.s32 $0xFFFFFFFF;
	p2 =	slt.u32 s8, $0xFFFFF086  }
0x1c: {  	p1 =	slt.u32 s9, $0xF7A;
	s5 =	simm.s32 @!p2 $0x0  }
0x1d: {  	s5 =	simm.s32 @p1 $0x1;
	p0 =	seq.s32 s7, s2  }
0x1e: {  	s7 =	smul.u32 @!p0 $0xF7A, s2;
	p2 =	seq.s32 @!p0 s5, $0x0  }
0x1f: {  	s9 =	smul.u32 $0xF7A, s1;
	s8 =	simm.s32 @!p0 $0x1BF5;
	p2 =	por !p2, p0  }
0x20: {  	[sflag:s8] =	ssyncset.s32 @!p0 $0xFFFFF086;
	s6 =	sadd.s32 @!p0 s3, s7;
	s7 =	simm.s32 @!p0 $0x108  }
0x21: {  	s3 =	sadd.s32 s3, s9;
	s6 =	sadd.s32 @!p0 $0x88, s6;
	s7 =	simm.s32 @p2 $0x1082  }
0x22: {  	[simem:s7], [sflag:s8] =	dma.local @!p0 [hbm:s6], $0xF7A  }
0x23: {  	s9 =	sor.u32 $0xD0000000, s2;
	s6 =	simm.s32 $0x108;
	_ =	swait.ge @!p0 [sflag:s8], $0x0  }
0x24: {  	s3 =	sadd.s32 $0x88, s3;
	s6 =	simm.s32 @!p1 $0x1082;
	[sflag:s4] =	ssyncset.s32 $0xFFFFF086  }
0x25: {  	[simem:s6], [sflag:s4] =	dma.local [hbm:s3], $0xF7A  }
0x26: {  	[smem:$0x3F9B] =	sst s1;
	(tag) =	ssettag s2;
	_ =	strace s9  }
0x27: {  	s1 =	sld [smem:$0x3FAB]  }
0x28: {  	s2 =	sld [smem:$0x3FAC]  }
0x29: {  	s4 =	sld [smem:$0x3FAE]  }
0x2a: {  	p0 =	seq.s32 s5, $0x0;
	s5 =	sld [smem:$0x3FAF]  }
0x2b: {  	s6 =	sld [smem:$0x3FB0]  }
0x2c: {  	s7 =	sld [smem:$0x3FB1]  }
0x2d: {  	s3 =	simm.s32 $0x108;
	s8 =	sld [smem:$0x3FB2]  }
0x2e: {  	s3 =	simm.s32 @!p0 $0x1082;
	s9 =	sld [smem:$0x3FB3]  }
0x2f: {  	lr =	sadd.s32 s0, s3;
	s0 =	sld [smem:$0x3FAA]  }
0x30: {  	s3 =	sld [smem:$0x3FAD]  }
0x31: {  	[smem:$0x3FB6] =	sst s10  }
0x32: {  	s10 =	sld [smem:$0x3FB4];
	_ =	sdelay $0x3  }
0x33: {  	p0 =	seq.s32 s10, $0x1;
	s10 =	sld [smem:$0x3FB6];
	_ =	sdelay $0x3  }
0x34: {  	[smem:$0x3FB6] =	sst s10  }
0x35: {  	s10 =	sld [smem:$0x3FB5];
	_ =	sdelay $0x3  }
0x36: {  	p1 =	seq.s32 s10, $0x1;
	s10 =	sld [smem:$0x3FB6];
	_ =	sdelay $0x3  }
0x37: {  	[smem:$0x3FB6] =	sst s10  }
0x38: {  	s10 =	sld [smem:$0x3FB7]  }
0x39: {  	_ = 	snop;
	(pc) =	sbr.ind lr, $3  }
0x3a: {  	_ = 	snop  }
0x3b: {  	_ = 	snop  }
0x3c: {  	p2 =	seq.s32 s10, $0x1;
	s10 =	sld [smem:$0x3FB6]  }
0x3d: {  	_ =	shalt  }
0x3e: {  	_ =	shalt  }
0x3f: {  	_ =	shalt  }
0x40: {  	_ =	shalt  }
0x41: {  	_ =	shalt  }
0x42: {  	_ =	shalt  }
0x43: {  	_ =	shalt  }
0x44: {  	_ =	shalt  }
0x45: {  	_ =	shalt  }
0x46: {  	_ =	shalt  }
0x47: {  	_ =	shalt  }
0x48: {  	_ =	shalt  }
0x49: {  	_ =	shalt  }
0x4a: {  	_ =	shalt  }
0x4b: {  	_ =	shalt  }
0x4c: {  	_ =	shalt  }
0x4d: {  	_ =	shalt  }
0x4e: {  	_ =	shalt  }
0x4f: {  	_ =	shalt  }
0x50: {  	_ =	shalt  }
0x51: {  	_ =	shalt  }
0x52: {  	_ =	shalt  }
0x53: {  	_ =	shalt  }
0x54: {  	_ =	shalt  }
0x55: {  	_ =	shalt  }
0x56: {  	_ =	shalt  }
0x57: {  	_ =	shalt  }
0x58: {  	_ =	shalt  }
0x59: {  	_ =	shalt  }
0x5a: {  	_ =	shalt  }
0x5b: {  	_ =	shalt  }
0x5c: {  	_ =	shalt  }
0x5d: {  	_ =	shalt  }
0x5e: {  	_ =	shalt  }
0x5f: {  	_ =	shalt  }
0x60: {  	_ =	shalt  }
0x61: {  	_ =	shalt  }
0x62: {  	_ =	shalt  }
0x63: {  	_ =	shalt  }
0x64: {  	_ =	shalt  }
0x65: {  	_ =	shalt  }
0x66: {  	_ =	shalt  }
0x67: {  	_ =	shalt  }
0x68: {  	_ =	shalt  }
0x69: {  	_ =	shalt  }
0x6a: {  	_ =	shalt  }
0x6b: {  	_ =	shalt  }
0x6c: {  	_ =	shalt  }
0x6d: {  	_ =	shalt  }
0x6e: {  	_ =	shalt  }
0x6f: {  	_ =	shalt  }
0x70: {  	_ =	shalt  }
0x71: {  	_ =	shalt  }
0x72: {  	_ =	shalt  }
0x73: {  	_ =	shalt  }
0x74: {  	_ =	shalt  }
0x75: {  	_ =	shalt  }
0x76: {  	_ =	shalt  }
0x77: {  	_ =	shalt  }
0x78: {  	_ =	shalt  }
0x79: {  	_ =	shalt  }
0x7a: {  	_ =	shalt  }
0x7b: {  	_ =	shalt  }
0x7c: {  	_ =	shalt  }
0x7d: {  	_ =	shalt  }
0x7e: {  	_ =	shalt  }
0x7f: {  	_ =	shalt  }
0x80: {  	_ =	shalt  }
0x81: {  	_ =	shalt  }
0x82: {  	_ =	shalt  }
0x83: {  	_ =	shalt  }
0x84: {  	_ =	shalt  }
0x85: {  	_ =	shalt  }
0x86: {  	_ =	shalt  }
0x87: {  	_ =	shalt  }
.Lfunc_end0:
.L_simem_size_0:
called_computation_lowered:
.L_overlay_start_0:
0x88: {  	s2 =	sld [smem:$0x3FD9]  }
0x89: {  	s3 =	sld [smem:$0x3FFE];
	_ =	sdelay $0x1  }
0x8a: {  	s1 =	srdreg.scid  }
0x8b: {  	s0 =	sand.u32 $0x1, s1  }
0x8c: {  	s18 =	sshll.u32 s0, $0xA;
	s2 =	sadd.s32 s3, s2  }
0x8d: {  	s2 =	sadd.s32 s2, s18  }
0x8e: {  	[smem:$0x3FC2] =	sst s2  }
0x8f: {  	_ = 	snop  }
0x90: {  	s2 =	sld [smem:$0x3FC8]  }
0x91: {  	s19 =	sld [smem:$0x3FC7]  }
0x92: {  	s4 =	sld [smem:$0x3FD0];
	(tm) =	ssettm $0x1  }
0x93: {  	s5 =	sld [smem:$0x3FFB];
	_ =	sdelay $0x3  }
0x94: {  	_ =	strace s5  }
0x95: {  	s5 =	sld [smem:$0x3FFC];
	_ =	sdelay $0x3  }
0x96: {  	_ =	strace s5  }
0x97: {  	s5 =	sld [smem:$0x3FFD];
	_ =	sdelay $0x3  }
0x98: {  	_ =	strace s5  }
0x99: {  	_ =	strace $0x8FFFFFFF  }
0x9a: {  	s20 =	sld [smem:$0x3FDB];
	_ =	sdelay $0x1  }
0x9b: {  	s6 =	simm.s32 $_scs_section_size  }
0x9c: {  	s7 =	simm.s32 $_size__tile_overlayer_lowered;
	s8 =	simm.s32 $_tile_overlayer_lowered  }
0x9d: {  	s23 =	simm.s32 $0x1BFF;
	s22 =	sshll.u32 s8, $0x1;
	s5 =	sadd.s32 s6, s20  }
0x9e: {  	s9 =	simm.s32 $0x0;
	s21 =	sshll.u32 s7, $0x1;
	s7 =	sadd.s32 s22, s5  }
0x9f: {  	[timem:s9], [sflag:s23] =	dma.local [hbm:s7], s21  }
0xa0: {  	_ =	swait.ge [sflag:s23], s21  }
0xa1: {  	s6 =	ssub.s32 $0x0, s21;
	[sflag:s23] =	ssyncset.done $0x0  }
0xa2: {  	[sflag:s23] =	ssyncadd.s32 s6;
	_ =	sdelay $0x1  }
0xa3: {  	s24 =	simm.s32 $0x1B8B  }
0xa4: {  	_ =	swait.ge [sflag:s24], $0x1  }
0xa5: {  	[sflag:s24] =	ssyncset.done $0x0  }
0xa6: {  	s25 =	simm.s32 $0x1B8E;
	[sflag:s24] =	ssyncadd.s32 $0xFFFFFFFF  }
0xa7: {  	s26 =	simm.s32 $execute0_lowered;
	[smem:$0x3FD2] =	sst s25  }
0xa8: {  	s6 =	sshll.u32 s26, $0x1;
	_ =	strace $0x80000046;
	[dreg:$0x1] =	wrdreg $0xFFFFFFFF  }
0xa9: {  	s28 =	simm.s32 $_size_execute0_lowered;
	s5 =	sadd.s32 s5, s6;
	[dreg:$0x0] =	wrdreg $0x0  }
0xaa: {  	s6 =	sshll.u32 s28, $0x1;
	[dreg:$0x2] =	wrdreg s5  }
0xab: {  	[dreg:$0x3] =	wrdreg s6  }
0xac: {  	[dreg:$0x4] =	wrdreg $0xC0  }
0xad: {  	_ =	task [dreg:s9], $0x5FFFF  }
0xae: {  	[dreg:$0x1] =	wrdreg $0xFFFFFFFF  }
0xaf: {  	[dreg:$0x0] =	wrdreg $0x60  }
0xb0: {  	[dreg:$0x2] =	wrdreg s2  }
0xb1: {  	[dreg:$0x3] =	wrdreg s19  }
0xb2: {  	[dreg:$0x4] =	wrdreg s4  }
0xb3: {  	[dreg:$0x5] =	wrdreg $0x9  }
0xb4: {  	_ =	task.clear_ibuf [dreg:s9], $0x6FFFF;
	_ =	strace $0x90000046  }
0xb5: {  	s29 =	simm.s32 $0x9;
	_ =	strace $0x80000048  }
0xb6: {  	_ =	swait.ge [sflag:s29], $0x1  }
0xb7: {  	[sflag:s29] =	ssyncadd.s32 $0xFFFFFFFF  }
0xb8: {  	_ =	strace $0x90000048  }
0xb9: {  	_ =	sfence  }
0xba: {  	s30 =	sld [smem:$0x0];
	_ =	sdelay $0x2  }
0xbb: {  	s31 =	sshll.u32 s1, $0xD;
	s1 =	sshrl.u32 s1, $0x2  }
0xbc: {  	s3 =	sand.u32 $0x4000, s31;
	s1 =	sadd.s32 s1, s30  }
0xbd: {  	s0 =	sor.u32 s3, s0;
	s1 =	sshll.u32 s1, $0x11  }
0xbe: {  	s0 =	sor.u32 s1, s0  }
0xbf: {  	s0 =	sadd.s32 $0x8F2B, s0  }
0xc0: {  	[sflag:s0] =	ssyncadd.remote.s32 $0x1  }
0xc1: {  	_ =	sfence.sel $0xFFFF  }
0xc2: {  	[dreg:$0x0] =	wrdreg $0xFFFFFFFF;
	(pc) =	sbr.abs _section_cstart, $3  }
0xc3: {  	[dreg:$0x1] =	wrdreg $0xFFFFFFFF  }
0xc4: {  	_ =	task.clear_ibuf [dreg:s9], $0x2FFFF;
	_ =	strace $0x9FFFFFFF  }
0xc5: {  	(tm) =	ssettm $0x7FFFFFFF  }
tec
execute0_lowered:
.L_overlay_start_1:
0x0: {  	(tag) =	ssettag $0x1  }
0x1: {  	s1 =	rddreg [dreg:$0x0]  }
0x2: {  	s3 =	rddreg [dreg:$0x1]  }
0x3: {  	s12 =	rddreg [dreg:$0x2]  }
0x4: {  	s0 =	rddreg [dreg:$0x3]  }
0x5: {  	s5 =	srdreg.scid;
	s2 =	stileid.u32;
	s4 =	simm.s32 $0x0  }
0x6: {  	s15 =	simm.s32 $0x1A700;
	s16 =	simm.s32 $0x19700;
	s17 =	simm.s32 $0x1AF00  }
0x7: {  	s18 =	simm.s32 $0x1;
	s19 =	simm.s32 $0x3;
	s20 =	simm.s32 $0x2  }
0x8: {  	s21 =	simm.s32 $0x4;
	s22 =	simm.s32 $0x5;
	s23 =	simm.s32 $0x0  }
0x9: {  	s5 =	sand.u32 $0x1, s5;
	s6 =	sshll.u32 s2, $0x1;
	[smem:$0x7FF] =	sst s4  }
0xa: {  	s7 =	ssub.s32 $0x2, s5;
	s9 =	sor.u32 s5, s6;
	_ =	strace $0x80000047  }
0xb: {  	s5 =	simm.s32 $0x62;
	s30 =	sshrl.u32 s7, $0x1;
	s8 =	smul.u32 $0x61, s9  }
0xc: {  	s10 =	smin.u32 s9, $0x15;
	p0 =	slt.u32 s9, $0x15;
	s14 =	smul.u32 $0x30E0, s9  }
0xd: {  	s13 =	ssub.s32 s7, s30;
	s5 =	simm.s32 @!p0 $0x61;
	s6 =	sadd.s32 s10, s8  }
.Ltmp0:
0xe: {  	s12 =	sadd.s32 s12, s14;
	s13 =	smax.u32 s13, $0x1;
	(pc) =	sbr.rel .LBB2_1-.Ltmp0, $4  }
0xf: {  	s14 =	simm.s32 $0x18700;
	s31 =	sshll.u32 s6, $0x9;
	s10 =	sshll.u32 s6, $0xB  }
0x10: {  	s8 =	sshll.u32 s6, $0x8;
	s7 =	sadd.s32 s1, s31;
	s10 =	sadd.s32 $0x800, s10  }
0x11: {  	s8 =	sadd.s32 s3, s8;
	s11 =	sshrl.u32 s10, $0x2;
	s10 =	sshrl.u32 s10, $0x3  }
0x12: {  	v0 =	vimm.f32 $0.0e+00;
	s9 =	sadd.s32 s1, s11;
	s10 =	sadd.s32 s3, s10;
	s11 =	sadd.s32 $0xFFFFFFFF, s5  }
.LBB2_11:
0x13: {  	s23 =	sadd.s32 $0x1, s23  }
0x14: {  	p0 =	sne.s32 s23, s13  }
.Ltmp1:
0x15: {  	_ = 	snop;
	(pc) =	sbr.rel @!p0 .LBB2_12-.Ltmp1, $4  }
0x16: {  	[hbm4b:s12+s4] =	stream.linear.scatter [tilespmem:s4], [sflag:$0x5], $0x18700, $0x38;
	[tilespmem:$0x1B700] =	vst v63  }
0x17: {  	_ =	swait.ge [sflag:s22], $0x18700  }
0x18: {  	[sflag:s22] =	ssyncset.done $0x0  }
0x19: {  	[sflag:s22] =	ssyncadd.s32 $0xFFFE7900  }
.LBB2_1:
0x1a: {  	s24 =	simm.s32 $0x40  }
0x1b: {  	[tilespmem:s24+$0xFFFFFFC0] =	vst v0  }
0x1c: {  	[tilespmem:s24+$0x30] =	vst v0  }
0x1d: {  	[tilespmem:s24+$0x20] =	vst v0  }
0x1e: {  	[tilespmem:s24+$0x10] =	vst v0  }
0x1f: {  	[tilespmem:s24+$0x0] =	vst v0  }
0x20: {  	[tilespmem:s24+$0xFFFFFFF0] =	vst v0  }
0x21: {  	s25 =	simm.s32 $0x0;
	[tilespmem:s24+$0xFFFFFFE0] =	vst v0  }
.LBB2_2:
0x22: {  	s25 =	sadd.s32 $0x8, s25;
	[tilespmem:s24+$0xFFFFFFD0] =	vst v0;
	s24 =	sadd.s32 $0x80, s24  }
0x23: {  	[tilespmem:s24+$0xFFFFFFC0] =	vst v0;
	p0 =	slt.u32 s25, $0x1868  }
0x24: {  	[tilespmem:s24+$0x30] =	vst v0  }
.Ltmp2:
0x25: {  	[tilespmem:s24+$0x20] =	vst v0;
	(pc) =	sbr.rel @p0 .LBB2_2-.Ltmp2, $4  }
0x26: {  	[tilespmem:s24+$0x10] =	vst v0  }
0x27: {  	[tilespmem:s24+$0x0] =	vst v0  }
0x28: {  	[tilespmem:s24+$0xFFFFFFF0] =	vst v0  }
0x29: {  	[tilespmem:s24+$0xFFFFFFE0] =	vst v0  }
0x2a: {  	[tilespmem:s24+$0xFFFFFFD0] =	vst v0;
	s24 =	simm.s32 $0x0  }
0x2b: {  	[tilespmem:s14], [sflag:$0x1] =	stream.linear.gather [hbm4b:s7+s24], $0x1000, $0x38;
	[tilespmem:$0x1B700] =	vst v63  }
0x2c: {  	_ = 	snop  }
0x2d: {  	[tilespmem:s15], [sflag:$0x3] =	stream.linear.gather [hbm4b:s8+s24], $0x800, $0x38;
	[tilespmem:$0x1B700] =	vst v63  }
.Ltmp3:
0x2e: {  	_ = 	snop;
	(pc) =	sbr.rel .LBB2_4-.Ltmp3, $4  }
0x2f: {  	_ = 	snop  }
0x30: {  	[tilespmem:s16], [sflag:$0x2] =	stream.linear.gather [hbm4b:s9+s24], $0x1000, $0x38;
	[tilespmem:$0x1B700] =	vst v63  }
0x31: {  	_ = 	snop  }
0x32: {  	[tilespmem:s17], [sflag:$0x4] =	stream.linear.gather [hbm4b:s10+s24], $0x800, $0x38;
	[tilespmem:$0x1B700] =	vst v63  }
.LBB2_10:
0x33: {  	s25 =	sadd.s32 $0x3, s25  }
0x34: {  	p0 =	sge.u32 s25, s5  }
0x35: {  	s25 =	sadd.s32 @!p0 s6, s25  }
0x36: {  	s26 =	sshll.u32 @!p0 s25, $0x9  }
0x37: {  	s28 =	simm.s32 @!p0 $0x0;
	s25 =	sshll.u32 @!p0 s25, $0x8;
	s26 =	sand.u32 @!p0 $0x1FFFFE00, s26  }
0x38: {  	s29 =	simm.s32 @!p0 $0x19700;
	s25 =	sand.u32 @!p0 $0x1FFFFF00, s25;
	s26 =	sadd.s32 @!p0 s1, s26  }
0x39: {  	[tilespmem:s29], [sflag:$0x2] =	stream.linear.gather @!p0 [hbm4b:s26+s28], $0x1000, $0x38;
	[tilespmem:$0x1B700] =	vst v63  }
0x3a: {  	s24 =	sadd.s32 $0x1, s24;
	s25 =	sadd.s32 @!p0 s3, s25;
	s26 =	simm.s32 @!p0 $0x1AF00  }
0x3b: {  	[tilespmem:s26], [sflag:$0x4] =	stream.linear.gather @!p0 [hbm4b:s25+s28], $0x800, $0x38;
	[tilespmem:$0x1B700] =	vst v63  }
0x3c: {  	p0 =	sne.s32 s24, $0x31  }
.Ltmp4:
0x3d: {  	_ = 	snop;
	(pc) =	sbr.rel @!p0 .LBB2_11-.Ltmp4, $1  }
0x3e: {  	_ =	sdelay $0x3  }
.LBB2_4:
0x3f: {  	s25 =	sshll.u32 s24, $0x1  }
0x40: {  	p0 =	sge.u32 s25, s5  }
.Ltmp5:
0x41: {  	_ = 	snop;
	(pc) =	sbr.rel @p0 .LBB2_7-.Ltmp5, $1  }
0x42: {  	_ =	sdelay $0x3  }
0x43: {  	_ =	swait.ge [sflag:s18], $0x1000  }
0x44: {  	[sflag:s18] =	ssyncset.done $0x0  }
0x45: {  	[sflag:s18] =	ssyncadd.s32 $0xFFFFF000  }
0x46: {  	_ =	swait.ge [sflag:s19], $0x800  }
0x47: {  	s26 =	simm.s32 $0xFFFFFFF8;
	[sflag:s19] =	ssyncset.done $0x0  }
0x48: {  	s28 =	simm.s32 $0x187F0;
	s29 =	simm.s32 $0x1A740;
	[sflag:s19] =	ssyncadd.s32 $0xFFFFF800  }
.LBB2_6:
0x49: {  	v1 =	vld [tilespmem:s28+$0xFFFFFF90];
	_ =	sdelay $0x2  }
0x4a: {  	v2 =	vld [tilespmem:s29+$0xFFFFFFC0];
	_ =	sdelay $0x4  }
0x4b: {  	[tilespmem:v1+s4+$0x0] =	vst.idx.add.f32.msk $0xffff, v2  }
0x4c: {  	v1 =	vld [tilespmem:s28+$0xFFFFFFA0];
	_ =	sdelay $0x2  }
0x4d: {  	v2 =	vld [tilespmem:s29+$0xFFFFFFD0];
	_ =	sdelay $0x4  }
0x4e: {  	[tilespmem:v1+s4+$0x0] =	vst.idx.add.f32.msk $0xffff, v2  }
0x4f: {  	v1 =	vld [tilespmem:s28+$0xFFFFFFB0];
	_ =	sdelay $0x2  }
0x50: {  	v2 =	vld [tilespmem:s29+$0xFFFFFFE0];
	_ =	sdelay $0x4  }
0x51: {  	[tilespmem:v1+s4+$0x0] =	vst.idx.add.f32.msk $0xffff, v2  }
0x52: {  	v1 =	vld [tilespmem:s28+$0xFFFFFFC0];
	_ =	sdelay $0x2  }
0x53: {  	v2 =	vld [tilespmem:s29+$0xFFFFFFF0];
	_ =	sdelay $0x4  }
0x54: {  	[tilespmem:v1+s4+$0x0] =	vst.idx.add.f32.msk $0xffff, v2  }
0x55: {  	v1 =	vld [tilespmem:s28+$0xFFFFFFD0];
	_ =	sdelay $0x2  }
0x56: {  	v2 =	vld [tilespmem:s29+$0x0];
	_ =	sdelay $0x4  }
0x57: {  	[tilespmem:v1+s4+$0x0] =	vst.idx.add.f32.msk $0xffff, v2  }
0x58: {  	v1 =	vld [tilespmem:s28+$0xFFFFFFE0];
	_ =	sdelay $0x2  }
0x59: {  	v2 =	vld [tilespmem:s29+$0x10];
	_ =	sdelay $0x4  }
0x5a: {  	[tilespmem:v1+s4+$0x0] =	vst.idx.add.f32.msk $0xffff, v2  }
0x5b: {  	v1 =	vld [tilespmem:s28+$0xFFFFFFF0];
	_ =	sdelay $0x2  }
0x5c: {  	v2 =	vld [tilespmem:s29+$0x20];
	_ =	sdelay $0x4  }
0x5d: {  	[tilespmem:v1+s4+$0x0] =	vst.idx.add.f32.msk $0xffff, v2  }
0x5e: {  	v1 =	vld [tilespmem:s28+$0x0];
	_ =	sdelay $0x1  }
0x5f: {  	s26 =	sadd.s32 $0x8, s26  }
0x60: {  	p0 =	slt.u32 s26, $0x78;
	v2 =	vld [tilespmem:s29+$0x30]  }
.Ltmp6:
0x61: {  	_ = 	snop;
	(pc) =	sbr.rel @p0 .LBB2_6-.Ltmp6, $2  }
0x62: {  	_ =	sdelay $0x2  }
0x63: {  	s28 =	sadd.s32 $0x100, s28;
	s29 =	sadd.s32 $0x80, s29;
	[tilespmem:v1+s4+$0x0] =	vst.idx.add.f32.msk $0xffff, v2  }
.LBB2_7:
0x64: {  	s26 =	sadd.s32 $0x2, s25  }
0x65: {  	p0 =	sge.u32 s26, s5  }
0x66: {  	s26 =	sadd.s32 @!p0 s6, s26  }
0x67: {  	s28 =	sshll.u32 @!p0 s26, $0x9  }
0x68: {  	s29 =	simm.s32 @!p0 $0x0;
	s26 =	sshll.u32 @!p0 s26, $0x8;
	s28 =	sand.u32 @!p0 $0x1FFFFE00, s28  }
0x69: {  	s30 =	simm.s32 @!p0 $0x18700;
	s26 =	sand.u32 @!p0 $0x1FFFFF00, s26;
	s28 =	sadd.s32 @!p0 s1, s28  }
0x6a: {  	[tilespmem:s30], [sflag:$0x1] =	stream.linear.gather @!p0 [hbm4b:s28+s29], $0x1000, $0x38;
	[tilespmem:$0x1B700] =	vst v63  }
0x6b: {  	s26 =	sadd.s32 @!p0 s3, s26;
	s28 =	simm.s32 @!p0 $0x1A700  }
0x6c: {  	[tilespmem:s28], [sflag:$0x3] =	stream.linear.gather @!p0 [hbm4b:s26+s29], $0x800, $0x38;
	[tilespmem:$0x1B700] =	vst v63  }
0x6d: {  	p0 =	sge.u32 s25, s11  }
.Ltmp7:
0x6e: {  	_ = 	snop;
	(pc) =	sbr.rel @p0 .LBB2_10-.Ltmp7, $1  }
0x6f: {  	_ =	sdelay $0x3  }
0x70: {  	_ =	swait.ge [sflag:s20], $0x1000  }
0x71: {  	[sflag:s20] =	ssyncset.done $0x0  }
0x72: {  	[sflag:s20] =	ssyncadd.s32 $0xFFFFF000  }
0x73: {  	_ =	swait.ge [sflag:s21], $0x800  }
0x74: {  	s26 =	simm.s32 $0xFFFFFFF8;
	[sflag:s21] =	ssyncset.done $0x0  }
0x75: {  	s28 =	simm.s32 $0x197F0;
	s29 =	simm.s32 $0x1AF40;
	[sflag:s21] =	ssyncadd.s32 $0xFFFFF800  }
.LBB2_9:
0x76: {  	v1 =	vld [tilespmem:s28+$0xFFFFFF90];
	_ =	sdelay $0x2  }
0x77: {  	v2 =	vld [tilespmem:s29+$0xFFFFFFC0];
	_ =	sdelay $0x4  }
0x78: {  	[tilespmem:v1+s4+$0x0] =	vst.idx.add.f32.msk $0xffff, v2  }
0x79: {  	v1 =	vld [tilespmem:s28+$0xFFFFFFA0];
	_ =	sdelay $0x2  }
0x7a: {  	v2 =	vld [tilespmem:s29+$0xFFFFFFD0];
	_ =	sdelay $0x4  }
0x7b: {  	[tilespmem:v1+s4+$0x0] =	vst.idx.add.f32.msk $0xffff, v2  }
0x7c: {  	v1 =	vld [tilespmem:s28+$0xFFFFFFB0];
	_ =	sdelay $0x2  }
0x7d: {  	v2 =	vld [tilespmem:s29+$0xFFFFFFE0];
	_ =	sdelay $0x4  }
0x7e: {  	[tilespmem:v1+s4+$0x0] =	vst.idx.add.f32.msk $0xffff, v2  }
0x7f: {  	v1 =	vld [tilespmem:s28+$0xFFFFFFC0];
	_ =	sdelay $0x2  }
0x80: {  	v2 =	vld [tilespmem:s29+$0xFFFFFFF0];
	_ =	sdelay $0x4  }
0x81: {  	[tilespmem:v1+s4+$0x0] =	vst.idx.add.f32.msk $0xffff, v2  }
0x82: {  	v1 =	vld [tilespmem:s28+$0xFFFFFFD0];
	_ =	sdelay $0x2  }
0x83: {  	v2 =	vld [tilespmem:s29+$0x0];
	_ =	sdelay $0x4  }
0x84: {  	[tilespmem:v1+s4+$0x0] =	vst.idx.add.f32.msk $0xffff, v2  }
0x85: {  	v1 =	vld [tilespmem:s28+$0xFFFFFFE0];
	_ =	sdelay $0x2  }
0x86: {  	v2 =	vld [tilespmem:s29+$0x10];
	_ =	sdelay $0x4  }
0x87: {  	[tilespmem:v1+s4+$0x0] =	vst.idx.add.f32.msk $0xffff, v2  }
0x88: {  	v1 =	vld [tilespmem:s28+$0xFFFFFFF0];
	_ =	sdelay $0x2  }
0x89: {  	v2 =	vld [tilespmem:s29+$0x20];
	_ =	sdelay $0x4  }
0x8a: {  	[tilespmem:v1+s4+$0x0] =	vst.idx.add.f32.msk $0xffff, v2  }
0x8b: {  	v1 =	vld [tilespmem:s28+$0x0];
	_ =	sdelay $0x1  }
0x8c: {  	s26 =	sadd.s32 $0x8, s26  }
0x8d: {  	p0 =	slt.u32 s26, $0x78;
	v2 =	vld [tilespmem:s29+$0x30]  }
.Ltmp8:
0x8e: {  	_ = 	snop;
	(pc) =	sbr.rel @p0 .LBB2_9-.Ltmp8, $2  }
0x8f: {  	_ =	sdelay $0x2  }
0x90: {  	s28 =	sadd.s32 $0x100, s28;
	s29 =	sadd.s32 $0x80, s29;
	[tilespmem:v1+s4+$0x0] =	vst.idx.add.f32.msk $0xffff, v2  }
.Ltmp9:
0x91: {  	_ = 	snop;
	(pc) =	sbr.rel .LBB2_10-.Ltmp9, $1  }
0x92: {  	_ =	sdelay $0x3  }
.LBB2_12:
0x93: {  	_ =	sfence.sel $0x180000  }
0x94: {  	[bflag:$0x0] =	sbarrier.arrive $0xFFFF  }
0x95: {  	p0 =	sne.s32 s2, $0x0;
	_ =	strace $0x90000047  }
0x96: {  	s0 =	sadd.s32 @!p0 $0x100000, s0;
	[bflag:$0x2] =	sbarrier.arrive $0xFFFF  }
0x97: {  	[sflag:s0] =	ssyncadd.tile.s32 @!p0 $0x1;
	_ =	shalt  }
.Lfunc_end2:
_tile_overlayer_lowered:
.L_overlay_start_2:
0x98: {  	(tag) =	ssettag $0x2  }
0x99: {  	s0 =	rddreg [dreg:$0x0];
	s2 =	stileid.u32  }
0x9a: {  	s1 =	rddreg [dreg:$0x1];
	p0 =	sne.s32 s2, $0x0  }
0x9b: {  	s3 =	rddreg [dreg:$0x2];
	[bflag:$0x3] =	sbarrier.arrive $0xFFFF;
	s2 =	simm.s32 @!p0 $0x1C05  }
0x9c: {  	[timem:s3], [sflag:s2] =	dma.local @!p0 [hbm:s0], s1  }
0x9d: {  	s0 =	simm.s32 @!p0 $0x5  }
0x9e: {  	_ =	swait.ge @!p0 [sflag:s0], s1  }
0x9f: {  	s1 =	ssub.s32 @!p0 $0x0, s1;
	[sflag:s0] =	ssyncset.done @!p0 $0x0  }
0xa0: {  	[sflag:s0] =	ssyncadd.s32 @!p0 s1  }
0xa1: {  	[bflag:$0x3] =	sbarrier.arrive $0xFFFF  }
0xa2: {  	_ =	shalt  }

</sc_bundles>
